<compile_context>
chip_gen: v7x
topology: tpu7x:2x2x1
jax: 0.10.2.dev20260603
libtpu: 0.0.44.dev20260713+nightly
codegen_flags: <defaults>
</compile_context>

<pallas_src>
import functools

import jax
import jax.numpy as jnp
from jax import lax
from jax.experimental import pallas as pl
from jax.experimental.pallas import tpu as pltpu
from jax.experimental.pallas import tpu_sc as plsc

NC = 2
NS = 16
LANES = 16
NBUF = 3


def _make_sc_kernel(B, S, V, D):
    n_tiles = NC * NS
    spt = B // n_tiles
    mesh = plsc.VectorSubcoreMesh(core_axis_name="c", subcore_axis_name="s")

    @functools.partial(
        pl.kernel,
        out_type=jax.ShapeDtypeStruct((B * S, D), jnp.float32),
        mesh=mesh,
        scratch_types=[
            pltpu.VMEM((spt * S,), jnp.int32),
            pltpu.VMEM((S, D), jnp.float32),
        ]
        + [pltpu.VMEM((S, D), jnp.float32)] * NBUF
        + [pltpu.SemaphoreType.DMA] * (2 * NBUF),
    )
    def k(x_hbm, tok_hbm, pos_hbm, out_hbm, idx_v, pos_v, *bufs_and_sems):
        rows = bufs_and_sems[:NBUF]
        g_sem = bufs_and_sems[NBUF:2 * NBUF]
        o_sem = bufs_and_sems[2 * NBUF:]

        wid = lax.axis_index("s") * NC + lax.axis_index("c")
        seq0 = wid * spt

        pltpu.sync_copy(pos_hbm, pos_v)
        pltpu.sync_copy(x_hbm.at[pl.ds(seq0 * S, spt * S)], idx_v)

        def g_start(t, b):
            pltpu.make_async_copy(
                tok_hbm.at[idx_v.at[pl.ds(t * S, S)]], rows[b],
                g_sem[b]).start()

        def g_wait(b):
            pltpu.make_async_copy(
                tok_hbm.at[idx_v.at[pl.ds(0, S)]], rows[b],
                g_sem[b]).wait()

        def o_start(t, b):
            pltpu.make_async_copy(
                rows[b], out_hbm.at[pl.ds((seq0 + t) * S, S)], o_sem[b]).start()

        def o_wait(b):
            pltpu.make_async_copy(
                rows[b], out_hbm.at[pl.ds(seq0 * S, S)], o_sem[b]).wait()

        def consume(t, b):
            g_wait(b)

            @pl.loop(0, S)
            def _row_loop(r):
                for c in range(D // LANES):
                    sl = pl.ds(c * LANES, LANES)
                    plsc.addupdate(rows[b].at[r, sl], pos_v[r, sl])

            o_start(t, b)

        for b in range(2):
            g_start(b, b)

        n_main = spt // NBUF * NBUF

        @pl.loop(0, n_main // NBUF)
        def _main(p):
            t0 = p * NBUF
            for b in range(NBUF):
                t = t0 + b
                consume(t, b)
                nxt = t + 2
                bn = (b + 2) % NBUF

                @pl.when(nxt < spt)
                def _(bn=bn, nxt=nxt, t=t):
                    @pl.when(t >= 1)
                    def _(bn=bn):
                        o_wait(bn)

                    g_start(nxt, bn)

        for t in range(n_main, spt):
            consume(t, t % NBUF)

        for b in range(NBUF):
            o_wait(b)

    return k


def kernel(x, token_table, pos_table):
    B, S = x.shape
    V, D = token_table.shape
    k = _make_sc_kernel(B, S, V, D)
    out = k(x.reshape(B * S), token_table, pos_table)
    return out.reshape(B, S, D)

# --- scband reference (transcript-rebuilt; emitter-appended) ---
"""Pipeline reference for scband-token-and-position-embedding-66606352826659 (READ-ONLY COPY).

The authoritative reference and input builder live on the scoring server;
editing this copy changes nothing except your own understanding.
"""

import jax, jax.numpy as jnp
import numpy as np

VOCAB = 100000
MAXLEN = 200
EMBED = 128
BATCH = 1024
SEQ = 200

def setup_inputs(seed: int = 0) -> dict:
    key = jax.random.key(seed)
    k1, k2, k3 = jax.random.split(key, 3)
    x = jax.random.randint(k1, (BATCH, SEQ), 0, VOCAB, dtype=jnp.int64 if jax.config.read('jax_enable_x64') else jnp.int32)
    # Keras Embedding default init: uniform(-0.05, 0.05)
    token_table = jax.random.uniform(k2, (VOCAB, EMBED), dtype=jnp.float32, minval=-0.05, maxval=0.05)
    pos_table = jax.random.uniform(k3, (MAXLEN, EMBED), dtype=jnp.float32, minval=-0.05, maxval=0.05)
    return {"x": x, "token_table": token_table, "pos_table": pos_table}

def reference(x, token_table, pos_table):
    seq_len = x.shape[-1]
    positions = jnp.arange(seq_len)
    pos_emb = jnp.take(pos_table, positions, axis=0)          # [SEQ, EMBED]
    tok_emb = jnp.take(token_table, x, axis=0)                # [BATCH, SEQ, EMBED]
    return tok_emb + pos_emb[None, :, :]

if __name__ == "__main__":
    import jax
    _d = setup_inputs()
    print(jax.jit(kernel)(*tuple(_d.values())))

</pallas_src>

<mosaic_0001>
#map = affine_map<(d0, d1) -> (0)>
#map1 = affine_map<(d0, d1) -> (0, 0)>
module attributes {stable_mosaic.version = 14 : i64} {
  func.func @k(%arg0: i32, %arg1: i32, %arg2: memref<204800xi32, #tpu.memory_space<hbm>>, %arg3: memref<100000x128xf32, #tpu.memory_space<hbm>>, %arg4: memref<200x128xf32, #tpu.memory_space<hbm>>, %arg5: memref<204800x128xf32, #tpu.memory_space<hbm>>, %arg6: memref<6400xi32, #tpu.memory_space<vmem>>, %arg7: memref<200x128xf32, #tpu.memory_space<vmem>>, %arg8: memref<200x128xf32, #tpu.memory_space<vmem>>, %arg9: memref<200x128xf32, #tpu.memory_space<vmem>>, %arg10: memref<200x128xf32, #tpu.memory_space<vmem>>, %arg11: memref<!tpu.dma_semaphore, #tpu.memory_space<semaphore_mem>>, %arg12: memref<!tpu.dma_semaphore, #tpu.memory_space<semaphore_mem>>, %arg13: memref<!tpu.dma_semaphore, #tpu.memory_space<semaphore_mem>>, %arg14: memref<!tpu.dma_semaphore, #tpu.memory_space<semaphore_mem>>, %arg15: memref<!tpu.dma_semaphore, #tpu.memory_space<semaphore_mem>>, %arg16: memref<!tpu.dma_semaphore, #tpu.memory_space<semaphore_mem>>) attributes {dimension_semantics = [#tpu.dimension_semantics<core_parallel>, #tpu.dimension_semantics<subcore_parallel>], iteration_bounds = array<i64: 2, 16>, scalar_prefetch = 0 : i64, scratch_operands = 11 : i64, tpu.core_type = #tpu.core_type<sc_vector_subcore>, window_params = [{transform_indices = #map}, {transform_indices = #map1}, {transform_indices = #map1}, {transform_indices = #map1}]} {
    %mul3A = arith.constant 2 : i32
    %mul3A_0 = arith.muli %arg1, %mul3A : i32
    %add3A = arith.addi %mul3A_0, %arg0 : i32
    %mul3A_1 = arith.constant 32 : i32
    %mul3A_2 = arith.muli %add3A, %mul3A_1 : i32
    "tpu.region"() ({
      %run_scoped3A = tpu.sem_alloc : memref<!tpu.dma_semaphore, #tpu.memory_space<semaphore_mem>>
      tpu.enqueue_dma source(%arg4 : memref<200x128xf32, #tpu.memory_space<hbm>>) target(%arg7 : memref<200x128xf32, #tpu.memory_space<vmem>>) target_semaphore(%run_scoped3A : memref<!tpu.dma_semaphore, #tpu.memory_space<semaphore_mem>>)
      tpu.wait_dma2 semaphore(%run_scoped3A : memref<!tpu.dma_semaphore, #tpu.memory_space<semaphore_mem>>) src(%arg4 : memref<200x128xf32, #tpu.memory_space<hbm>>) dst(%arg7 : memref<200x128xf32, #tpu.memory_space<vmem>>)
      tpu.yield
    }) : () -> ()
    %mul3A_3 = arith.constant 200 : i32
    %mul3A_4 = arith.muli %mul3A_2, %mul3A_3 : i32
    "tpu.region"() ({
      %run_scoped3A = tpu.sem_alloc : memref<!tpu.dma_semaphore, #tpu.memory_space<semaphore_mem>>
      %dma_start3A_71 = tpu.memref_slice %arg2[%mul3A_4] : memref<204800xi32, #tpu.memory_space<hbm>> -> memref<6400xi32, #tpu.memory_space<hbm>>
      %dma_start3A_72 = tpu.memref_slice %arg2[%mul3A_4] : memref<204800xi32, #tpu.memory_space<hbm>> -> memref<6400xi32, #tpu.memory_space<hbm>>
      tpu.enqueue_dma source(%dma_start3A_72 : memref<6400xi32, #tpu.memory_space<hbm>>) target(%arg6 : memref<6400xi32, #tpu.memory_space<vmem>>) target_semaphore(%run_scoped3A : memref<!tpu.dma_semaphore, #tpu.memory_space<semaphore_mem>>)
      %dma_wait3A_73 = tpu.memref_slice %arg2[%mul3A_4] : memref<204800xi32, #tpu.memory_space<hbm>> -> memref<6400xi32, #tpu.memory_space<hbm>>
      %dma_wait3A_74 = tpu.memref_slice %arg2[%mul3A_4] : memref<204800xi32, #tpu.memory_space<hbm>> -> memref<6400xi32, #tpu.memory_space<hbm>>
      tpu.wait_dma2 semaphore(%run_scoped3A : memref<!tpu.dma_semaphore, #tpu.memory_space<semaphore_mem>>) src(%dma_wait3A_74 : memref<6400xi32, #tpu.memory_space<hbm>>) dst(%arg6 : memref<6400xi32, #tpu.memory_space<vmem>>)
      tpu.yield
    }) : () -> ()
    %dma_start3A = arith.constant 0 : i32
    %dma_start3A_5 = tpu.memref_slice %arg6[%dma_start3A] : memref<6400xi32, #tpu.memory_space<vmem>> -> memref<200xi32, #tpu.memory_space<vmem>>
    %dma_start3A_6 = arith.constant 0 : i32
    %dma_start3A_7 = arith.constant 0 : i32
    %dma_start3A_8 = tpu.memref_slice %arg3[%dma_start3A_6, %dma_start3A_7] : memref<100000x128xf32, #tpu.memory_space<hbm>> -> memref<100000x128xf32, #tpu.memory_space<hbm>>
    tpu.enqueue_indirect_dma source(%dma_start3A_8 : memref<100000x128xf32, #tpu.memory_space<hbm>>) target(%arg8 : memref<200x128xf32, #tpu.memory_space<vmem>>) offsets(%dma_start3A_5 : memref<200xi32, #tpu.memory_space<vmem>>) semaphore(%arg11 : memref<!tpu.dma_semaphore, #tpu.memory_space<semaphore_mem>>)
    %dma_start3A_9 = arith.constant 200 : i32
    %dma_start3A_10 = tpu.memref_slice %arg6[%dma_start3A_9] : memref<6400xi32, #tpu.memory_space<vmem>> -> memref<200xi32, #tpu.memory_space<vmem>>
    %dma_start3A_11 = arith.constant 0 : i32
    %dma_start3A_12 = arith.constant 0 : i32
    %dma_start3A_13 = tpu.memref_slice %arg3[%dma_start3A_11, %dma_start3A_12] : memref<100000x128xf32, #tpu.memory_space<hbm>> -> memref<100000x128xf32, #tpu.memory_space<hbm>>
    tpu.enqueue_indirect_dma source(%dma_start3A_13 : memref<100000x128xf32, #tpu.memory_space<hbm>>) target(%arg9 : memref<200x128xf32, #tpu.memory_space<vmem>>) offsets(%dma_start3A_10 : memref<200xi32, #tpu.memory_space<vmem>>) semaphore(%arg12 : memref<!tpu.dma_semaphore, #tpu.memory_space<semaphore_mem>>)
    %scan3A = arith.constant 0 : i32
    %scan3A_14 = arith.constant 10 : i32
    %scan3A_15 = arith.addi %scan3A, %scan3A_14 : i32
    %scan3A_16 = arith.constant 1 : i32
    scf.for %scan3A_71 = %scan3A to %scan3A_15 step %scan3A_16  : i32 {
      %mul3A_72 = arith.constant 1 : i32
      %mul3A_73 = arith.muli %scan3A_71, %mul3A_72 : i32
      %add3A_74 = arith.constant 0 : i32
      %add3A_75 = arith.addi %add3A_74, %mul3A_73 : i32
      %mul3A_76 = arith.constant 3 : i32
      %mul3A_77 = arith.muli %add3A_75, %mul3A_76 : i32
      %add3A_78 = arith.constant 0 : i32
      %add3A_79 = arith.addi %mul3A_77, %add3A_78 : i32
      %dma_wait3A_80 = arith.constant 0 : i32
      %dma_wait3A_81 = tpu.memref_slice %arg6[%dma_wait3A_80] : memref<6400xi32, #tpu.memory_space<vmem>> -> memref<200xi32, #tpu.memory_space<vmem>>
      %dma_wait3A_82 = arith.constant 0 : i32
      %dma_wait3A_83 = arith.constant 0 : i32
      %dma_wait3A_84 = tpu.memref_slice %arg3[%dma_wait3A_82, %dma_wait3A_83] : memref<100000x128xf32, #tpu.memory_space<hbm>> -> memref<100000x128xf32, #tpu.memory_space<hbm>>
      tpu.wait_indirect_dma semaphore(%arg11 : memref<!tpu.dma_semaphore, #tpu.memory_space<semaphore_mem>>) src(%dma_wait3A_84 : memref<100000x128xf32, #tpu.memory_space<hbm>>) dst(%arg8 : memref<200x128xf32, #tpu.memory_space<vmem>>)
      %scan3A_85 = arith.constant 0 : i32
      %scan3A_86 = arith.constant 200 : i32
      %scan3A_87 = arith.addi %scan3A_85, %scan3A_86 : i32
      %scan3A_88 = arith.constant 1 : i32
      scf.for %scan3A_153 = %scan3A_85 to %scan3A_87 step %scan3A_88  : i32 {
        %mul3A_154 = arith.constant 1 : i32
        %mul3A_155 = arith.muli %scan3A_153, %mul3A_154 : i32
        %add3A_156 = arith.constant 0 : i32
        %add3A_157 = arith.addi %add3A_156, %mul3A_155 : i32
        %get3A = arith.index_cast %add3A_157 : i32 to index
        %get3A_158 = arith.constant 0 : index
        %get3A_159 = tpu.vector_load %arg7[%get3A, %get3A_158] {strides = array<i32>} : memref<200x128xf32, #tpu.memory_space<vmem>>, vector<1x16xf32>,
        %get3A_160 = vector.shape_cast %get3A_159 : vector<1x16xf32> to vector<16xf32>
        %swap3A = arith.index_cast %add3A_157 : i32 to index
        %swap3A_161 = arith.constant 0 : index
        %swap3A_162 = tpu.vector_load %arg8[%swap3A, %swap3A_161] {strides = array<i32>} : memref<200x128xf32, #tpu.memory_space<vmem>>, vector<1x16xf32>,
        %swap3A_163 = vector.shape_cast %swap3A_162 : vector<1x16xf32> to vector<16xf32>
        %swap3A_164 = vector.shape_cast %get3A_160 : vector<16xf32> to vector<1x16xf32>
        tpu.vector_store %arg8[%swap3A, %swap3A_161], %swap3A_164 {add = true, strides = array<i32>} : memref<200x128xf32, #tpu.memory_space<vmem>>, vector<1x16xf32>,
        %get3A_165 = arith.index_cast %add3A_157 : i32 to index
        %get3A_166 = arith.constant 16 : index
        %get3A_167 = tpu.vector_load %arg7[%get3A_165, %get3A_166] {strides = array<i32>} : memref<200x128xf32, #tpu.memory_space<vmem>>, vector<1x16xf32>,
        %get3A_168 = vector.shape_cast %get3A_167 : vector<1x16xf32> to vector<16xf32>
        %swap3A_169 = arith.index_cast %add3A_157 : i32 to index
        %swap3A_170 = arith.constant 16 : index
        %swap3A_171 = tpu.vector_load %arg8[%swap3A_169, %swap3A_170] {strides = array<i32>} : memref<200x128xf32, #tpu.memory_space<vmem>>, vector<1x16xf32>,
        %swap3A_172 = vector.shape_cast %swap3A_171 : vector<1x16xf32> to vector<16xf32>
        %swap3A_173 = vector.shape_cast %get3A_168 : vector<16xf32> to vector<1x16xf32>
        tpu.vector_store %arg8[%swap3A_169, %swap3A_170], %swap3A_173 {add = true, strides = array<i32>} : memref<200x128xf32, #tpu.memory_space<vmem>>, vector<1x16xf32>,
        %get3A_174 = arith.index_cast %add3A_157 : i32 to index
        %get3A_175 = arith.constant 32 : index
        %get3A_176 = tpu.vector_load %arg7[%get3A_174, %get3A_175] {strides = array<i32>} : memref<200x128xf32, #tpu.memory_space<vmem>>, vector<1x16xf32>,
        %get3A_177 = vector.shape_cast %get3A_176 : vector<1x16xf32> to vector<16xf32>
        %swap3A_178 = arith.index_cast %add3A_157 : i32 to index
        %swap3A_179 = arith.constant 32 : index
        %swap3A_180 = tpu.vector_load %arg8[%swap3A_178, %swap3A_179] {strides = array<i32>} : memref<200x128xf32, #tpu.memory_space<vmem>>, vector<1x16xf32>,
        %swap3A_181 = vector.shape_cast %swap3A_180 : vector<1x16xf32> to vector<16xf32>
        %swap3A_182 = vector.shape_cast %get3A_177 : vector<16xf32> to vector<1x16xf32>
        tpu.vector_store %arg8[%swap3A_178, %swap3A_179], %swap3A_182 {add = true, strides = array<i32>} : memref<200x128xf32, #tpu.memory_space<vmem>>, vector<1x16xf32>,
        %get3A_183 = arith.index_cast %add3A_157 : i32 to index
        %get3A_184 = arith.constant 48 : index
        %get3A_185 = tpu.vector_load %arg7[%get3A_183, %get3A_184] {strides = array<i32>} : memref<200x128xf32, #tpu.memory_space<vmem>>, vector<1x16xf32>,
        %get3A_186 = vector.shape_cast %get3A_185 : vector<1x16xf32> to vector<16xf32>
        %swap3A_187 = arith.index_cast %add3A_157 : i32 to index
        %swap3A_188 = arith.constant 48 : index
        %swap3A_189 = tpu.vector_load %arg8[%swap3A_187, %swap3A_188] {strides = array<i32>} : memref<200x128xf32, #tpu.memory_space<vmem>>, vector<1x16xf32>,
        %swap3A_190 = vector.shape_cast %swap3A_189 : vector<1x16xf32> to vector<16xf32>
        %swap3A_191 = vector.shape_cast %get3A_186 : vector<16xf32> to vector<1x16xf32>
        tpu.vector_store %arg8[%swap3A_187, %swap3A_188], %swap3A_191 {add = true, strides = array<i32>} : memref<200x128xf32, #tpu.memory_space<vmem>>, vector<1x16xf32>,
        %get3A_192 = arith.index_cast %add3A_157 : i32 to index
        %get3A_193 = arith.constant 64 : index
        %get3A_194 = tpu.vector_load %arg7[%get3A_192, %get3A_193] {strides = array<i32>} : memref<200x128xf32, #tpu.memory_space<vmem>>, vector<1x16xf32>,
        %get3A_195 = vector.shape_cast %get3A_194 : vector<1x16xf32> to vector<16xf32>
        %swap3A_196 = arith.index_cast %add3A_157 : i32 to index
        %swap3A_197 = arith.constant 64 : index
        %swap3A_198 = tpu.vector_load %arg8[%swap3A_196, %swap3A_197] {strides = array<i32>} : memref<200x128xf32, #tpu.memory_space<vmem>>, vector<1x16xf32>,
        %swap3A_199 = vector.shape_cast %swap3A_198 : vector<1x16xf32> to vector<16xf32>
        %swap3A_200 = vector.shape_cast %get3A_195 : vector<16xf32> to vector<1x16xf32>
        tpu.vector_store %arg8[%swap3A_196, %swap3A_197], %swap3A_200 {add = true, strides = array<i32>} : memref<200x128xf32, #tpu.memory_space<vmem>>, vector<1x16xf32>,
        %get3A_201 = arith.index_cast %add3A_157 : i32 to index
        %get3A_202 = arith.constant 80 : index
        %get3A_203 = tpu.vector_load %arg7[%get3A_201, %get3A_202] {strides = array<i32>} : memref<200x128xf32, #tpu.memory_space<vmem>>, vector<1x16xf32>,
        %get3A_204 = vector.shape_cast %get3A_203 : vector<1x16xf32> to vector<16xf32>
        %swap3A_205 = arith.index_cast %add3A_157 : i32 to index
        %swap3A_206 = arith.constant 80 : index
        %swap3A_207 = tpu.vector_load %arg8[%swap3A_205, %swap3A_206] {strides = array<i32>} : memref<200x128xf32, #tpu.memory_space<vmem>>, vector<1x16xf32>,
        %swap3A_208 = vector.shape_cast %swap3A_207 : vector<1x16xf32> to vector<16xf32>
        %swap3A_209 = vector.shape_cast %get3A_204 : vector<16xf32> to vector<1x16xf32>
        tpu.vector_store %arg8[%swap3A_205, %swap3A_206], %swap3A_209 {add = true, strides = array<i32>} : memref<200x128xf32, #tpu.memory_space<vmem>>, vector<1x16xf32>,
        %get3A_210 = arith.index_cast %add3A_157 : i32 to index
        %get3A_211 = arith.constant 96 : index
        %get3A_212 = tpu.vector_load %arg7[%get3A_210, %get3A_211] {strides = array<i32>} : memref<200x128xf32, #tpu.memory_space<vmem>>, vector<1x16xf32>,
        %get3A_213 = vector.shape_cast %get3A_212 : vector<1x16xf32> to vector<16xf32>
        %swap3A_214 = arith.index_cast %add3A_157 : i32 to index
        %swap3A_215 = arith.constant 96 : index
        %swap3A_216 = tpu.vector_load %arg8[%swap3A_214, %swap3A_215] {strides = array<i32>} : memref<200x128xf32, #tpu.memory_space<vmem>>, vector<1x16xf32>,
        %swap3A_217 = vector.shape_cast %swap3A_216 : vector<1x16xf32> to vector<16xf32>
        %swap3A_218 = vector.shape_cast %get3A_213 : vector<16xf32> to vector<1x16xf32>
        tpu.vector_store %arg8[%swap3A_214, %swap3A_215], %swap3A_218 {add = true, strides = array<i32>} : memref<200x128xf32, #tpu.memory_space<vmem>>, vector<1x16xf32>,
        %get3A_219 = arith.index_cast %add3A_157 : i32 to index
        %get3A_220 = arith.constant 112 : index
        %get3A_221 = tpu.vector_load %arg7[%get3A_219, %get3A_220] {strides = array<i32>} : memref<200x128xf32, #tpu.memory_space<vmem>>, vector<1x16xf32>,
        %get3A_222 = vector.shape_cast %get3A_221 : vector<1x16xf32> to vector<16xf32>
        %swap3A_223 = arith.index_cast %add3A_157 : i32 to index
        %swap3A_224 = arith.constant 112 : index
        %swap3A_225 = tpu.vector_load %arg8[%swap3A_223, %swap3A_224] {strides = array<i32>} : memref<200x128xf32, #tpu.memory_space<vmem>>, vector<1x16xf32>,
        %swap3A_226 = vector.shape_cast %swap3A_225 : vector<1x16xf32> to vector<16xf32>
        %swap3A_227 = vector.shape_cast %get3A_222 : vector<16xf32> to vector<1x16xf32>
        tpu.vector_store %arg8[%swap3A_223, %swap3A_224], %swap3A_227 {add = true, strides = array<i32>} : memref<200x128xf32, #tpu.memory_space<vmem>>, vector<1x16xf32>,
      }
      %scan3A_89 = arith.constant 200 : i32
      %add3A_90 = arith.addi %mul3A_2, %add3A_79 : i32
      %mul3A_91 = arith.constant 200 : i32
      %mul3A_92 = arith.muli %add3A_90, %mul3A_91 : i32
      %dma_start3A_93 = arith.constant 0 : i32
      %dma_start3A_94 = tpu.memref_slice %arg5[%mul3A_92, %dma_start3A_93] : memref<204800x128xf32, #tpu.memory_space<hbm>> -> memref<200x128xf32, #tpu.memory_space<hbm>>
      %dma_start3A_95 = arith.constant 0 : i32
      %dma_start3A_96 = tpu.memref_slice %arg5[%mul3A_92, %dma_start3A_95] : memref<204800x128xf32, #tpu.memory_space<hbm>> -> memref<200x128xf32, #tpu.memory_space<hbm>>
      tpu.enqueue_dma source(%arg8 : memref<200x128xf32, #tpu.memory_space<vmem>>) target(%dma_start3A_96 : memref<200x128xf32, #tpu.memory_space<hbm>>) target_semaphore(%arg14 : memref<!tpu.dma_semaphore, #tpu.memory_space<semaphore_mem>>)
      %add3A_97 = arith.constant 2 : i32
      %add3A_98 = arith.addi %add3A_79, %add3A_97 : i32
      %lt3A = arith.constant 32 : i32
      %lt3A_99 = arith.cmpi slt, %add3A_98, %lt3A : i32
      %convert_element_type3A = arith.extui %lt3A_99 : i1 to i32
      %cond3A = arith.constant 0 : i32
      %cond3A_100 = arith.cmpi ne, %convert_element_type3A, %cond3A : i32
      scf.if %cond3A_100 {
        %ge3A = arith.constant 1 : i32
        %ge3A_153 = arith.cmpi sge, %add3A_79, %ge3A : i32
        %convert_element_type3A_154 = arith.extui %ge3A_153 : i1 to i32
        %cond3A_155 = arith.constant 0 : i32
        %cond3A_156 = arith.cmpi ne, %convert_element_type3A_154, %cond3A_155 : i32
        scf.if %cond3A_156 {
          %mul3A_163 = arith.constant 200 : i32
          %mul3A_164 = arith.muli %mul3A_2, %mul3A_163 : i32
          %dma_wait3A_165 = arith.constant 0 : i32
          %dma_wait3A_166 = tpu.memref_slice %arg5[%mul3A_164, %dma_wait3A_165] : memref<204800x128xf32, #tpu.memory_space<hbm>> -> memref<200x128xf32, #tpu.memory_space<hbm>>
          %dma_wait3A_167 = arith.constant 0 : i32
          %dma_wait3A_168 = tpu.memref_slice %arg5[%mul3A_164, %dma_wait3A_167] : memref<204800x128xf32, #tpu.memory_space<hbm>> -> memref<200x128xf32, #tpu.memory_space<hbm>>
          tpu.wait_dma2 semaphore(%arg16 : memref<!tpu.dma_semaphore, #tpu.memory_space<semaphore_mem>>) src(%arg10 : memref<200x128xf32, #tpu.memory_space<vmem>>) dst(%dma_wait3A_168 : memref<200x128xf32, #tpu.memory_space<hbm>>)
        } else {
        }
        %mul3A_157 = arith.constant 200 : i32
        %mul3A_158 = arith.muli %add3A_98, %mul3A_157 : i32
        %dma_start3A_159 = tpu.memref_slice %arg6[%mul3A_158] : memref<6400xi32, #tpu.memory_space<vmem>> -> memref<200xi32, #tpu.memory_space<vmem>>
        %dma_start3A_160 = arith.constant 0 : i32
        %dma_start3A_161 = arith.constant 0 : i32
        %dma_start3A_162 = tpu.memref_slice %arg3[%dma_start3A_160, %dma_start3A_161] : memref<100000x128xf32, #tpu.memory_space<hbm>> -> memref<100000x128xf32, #tpu.memory_space<hbm>>
        tpu.enqueue_indirect_dma source(%dma_start3A_162 : memref<100000x128xf32, #tpu.memory_space<hbm>>) target(%arg10 : memref<200x128xf32, #tpu.memory_space<vmem>>) offsets(%dma_start3A_159 : memref<200xi32, #tpu.memory_space<vmem>>) semaphore(%arg13 : memref<!tpu.dma_semaphore, #tpu.memory_space<semaphore_mem>>)
      } else {
      }
      %add3A_101 = arith.constant 1 : i32
      %add3A_102 = arith.addi %mul3A_77, %add3A_101 : i32
      %dma_wait3A_103 = arith.constant 0 : i32
      %dma_wait3A_104 = tpu.memref_slice %arg6[%dma_wait3A_103] : memref<6400xi32, #tpu.memory_space<vmem>> -> memref<200xi32, #tpu.memory_space<vmem>>
      %dma_wait3A_105 = arith.constant 0 : i32
      %dma_wait3A_106 = arith.constant 0 : i32
      %dma_wait3A_107 = tpu.memref_slice %arg3[%dma_wait3A_105, %dma_wait3A_106] : memref<100000x128xf32, #tpu.memory_space<hbm>> -> memref<100000x128xf32, #tpu.memory_space<hbm>>
      tpu.wait_indirect_dma semaphore(%arg12 : memref<!tpu.dma_semaphore, #tpu.memory_space<semaphore_mem>>) src(%dma_wait3A_107 : memref<100000x128xf32, #tpu.memory_space<hbm>>) dst(%arg9 : memref<200x128xf32, #tpu.memory_space<vmem>>)
      %scan3A_108 = arith.constant 0 : i32
      %scan3A_109 = arith.constant 200 : i32
      %scan3A_110 = arith.addi %scan3A_108, %scan3A_109 : i32
      %scan3A_111 = arith.constant 1 : i32
      scf.for %scan3A_153 = %scan3A_108 to %scan3A_110 step %scan3A_111  : i32 {
        %mul3A_154 = arith.constant 1 : i32
        %mul3A_155 = arith.muli %scan3A_153, %mul3A_154 : i32
        %add3A_156 = arith.constant 0 : i32
        %add3A_157 = arith.addi %add3A_156, %mul3A_155 : i32
        %get3A = arith.index_cast %add3A_157 : i32 to index
        %get3A_158 = arith.constant 0 : index
        %get3A_159 = tpu.vector_load %arg7[%get3A, %get3A_158] {strides = array<i32>} : memref<200x128xf32, #tpu.memory_space<vmem>>, vector<1x16xf32>,
        %get3A_160 = vector.shape_cast %get3A_159 : vector<1x16xf32> to vector<16xf32>
        %swap3A = arith.index_cast %add3A_157 : i32 to index
        %swap3A_161 = arith.constant 0 : index
        %swap3A_162 = tpu.vector_load %arg9[%swap3A, %swap3A_161] {strides = array<i32>} : memref<200x128xf32, #tpu.memory_space<vmem>>, vector<1x16xf32>,
        %swap3A_163 = vector.shape_cast %swap3A_162 : vector<1x16xf32> to vector<16xf32>
        %swap3A_164 = vector.shape_cast %get3A_160 : vector<16xf32> to vector<1x16xf32>
        tpu.vector_store %arg9[%swap3A, %swap3A_161], %swap3A_164 {add = true, strides = array<i32>} : memref<200x128xf32, #tpu.memory_space<vmem>>, vector<1x16xf32>,
        %get3A_165 = arith.index_cast %add3A_157 : i32 to index
        %get3A_166 = arith.constant 16 : index
        %get3A_167 = tpu.vector_load %arg7[%get3A_165, %get3A_166] {strides = array<i32>} : memref<200x128xf32, #tpu.memory_space<vmem>>, vector<1x16xf32>,
        %get3A_168 = vector.shape_cast %get3A_167 : vector<1x16xf32> to vector<16xf32>
        %swap3A_169 = arith.index_cast %add3A_157 : i32 to index
        %swap3A_170 = arith.constant 16 : index
        %swap3A_171 = tpu.vector_load %arg9[%swap3A_169, %swap3A_170] {strides = array<i32>} : memref<200x128xf32, #tpu.memory_space<vmem>>, vector<1x16xf32>,
        %swap3A_172 = vector.shape_cast %swap3A_171 : vector<1x16xf32> to vector<16xf32>
        %swap3A_173 = vector.shape_cast %get3A_168 : vector<16xf32> to vector<1x16xf32>
        tpu.vector_store %arg9[%swap3A_169, %swap3A_170], %swap3A_173 {add = true, strides = array<i32>} : memref<200x128xf32, #tpu.memory_space<vmem>>, vector<1x16xf32>,
        %get3A_174 = arith.index_cast %add3A_157 : i32 to index
        %get3A_175 = arith.constant 32 : index
        %get3A_176 = tpu.vector_load %arg7[%get3A_174, %get3A_175] {strides = array<i32>} : memref<200x128xf32, #tpu.memory_space<vmem>>, vector<1x16xf32>,
        %get3A_177 = vector.shape_cast %get3A_176 : vector<1x16xf32> to vector<16xf32>
        %swap3A_178 = arith.index_cast %add3A_157 : i32 to index
        %swap3A_179 = arith.constant 32 : index
        %swap3A_180 = tpu.vector_load %arg9[%swap3A_178, %swap3A_179] {strides = array<i32>} : memref<200x128xf32, #tpu.memory_space<vmem>>, vector<1x16xf32>,
        %swap3A_181 = vector.shape_cast %swap3A_180 : vector<1x16xf32> to vector<16xf32>
        %swap3A_182 = vector.shape_cast %get3A_177 : vector<16xf32> to vector<1x16xf32>
        tpu.vector_store %arg9[%swap3A_178, %swap3A_179], %swap3A_182 {add = true, strides = array<i32>} : memref<200x128xf32, #tpu.memory_space<vmem>>, vector<1x16xf32>,
        %get3A_183 = arith.index_cast %add3A_157 : i32 to index
        %get3A_184 = arith.constant 48 : index
        %get3A_185 = tpu.vector_load %arg7[%get3A_183, %get3A_184] {strides = array<i32>} : memref<200x128xf32, #tpu.memory_space<vmem>>, vector<1x16xf32>,
        %get3A_186 = vector.shape_cast %get3A_185 : vector<1x16xf32> to vector<16xf32>
        %swap3A_187 = arith.index_cast %add3A_157 : i32 to index
        %swap3A_188 = arith.constant 48 : index
        %swap3A_189 = tpu.vector_load %arg9[%swap3A_187, %swap3A_188] {strides = array<i32>} : memref<200x128xf32, #tpu.memory_space<vmem>>, vector<1x16xf32>,
        %swap3A_190 = vector.shape_cast %swap3A_189 : vector<1x16xf32> to vector<16xf32>
        %swap3A_191 = vector.shape_cast %get3A_186 : vector<16xf32> to vector<1x16xf32>
        tpu.vector_store %arg9[%swap3A_187, %swap3A_188], %swap3A_191 {add = true, strides = array<i32>} : memref<200x128xf32, #tpu.memory_space<vmem>>, vector<1x16xf32>,
        %get3A_192 = arith.index_cast %add3A_157 : i32 to index
        %get3A_193 = arith.constant 64 : index
        %get3A_194 = tpu.vector_load %arg7[%get3A_192, %get3A_193] {strides = array<i32>} : memref<200x128xf32, #tpu.memory_space<vmem>>, vector<1x16xf32>,
        %get3A_195 = vector.shape_cast %get3A_194 : vector<1x16xf32> to vector<16xf32>
        %swap3A_196 = arith.index_cast %add3A_157 : i32 to index
        %swap3A_197 = arith.constant 64 : index
        %swap3A_198 = tpu.vector_load %arg9[%swap3A_196, %swap3A_197] {strides = array<i32>} : memref<200x128xf32, #tpu.memory_space<vmem>>, vector<1x16xf32>,
        %swap3A_199 = vector.shape_cast %swap3A_198 : vector<1x16xf32> to vector<16xf32>
        %swap3A_200 = vector.shape_cast %get3A_195 : vector<16xf32> to vector<1x16xf32>
        tpu.vector_store %arg9[%swap3A_196, %swap3A_197], %swap3A_200 {add = true, strides = array<i32>} : memref<200x128xf32, #tpu.memory_space<vmem>>, vector<1x16xf32>,
        %get3A_201 = arith.index_cast %add3A_157 : i32 to index
        %get3A_202 = arith.constant 80 : index
        %get3A_203 = tpu.vector_load %arg7[%get3A_201, %get3A_202] {strides = array<i32>} : memref<200x128xf32, #tpu.memory_space<vmem>>, vector<1x16xf32>,
        %get3A_204 = vector.shape_cast %get3A_203 : vector<1x16xf32> to vector<16xf32>
        %swap3A_205 = arith.index_cast %add3A_157 : i32 to index
        %swap3A_206 = arith.constant 80 : index
        %swap3A_207 = tpu.vector_load %arg9[%swap3A_205, %swap3A_206] {strides = array<i32>} : memref<200x128xf32, #tpu.memory_space<vmem>>, vector<1x16xf32>,
        %swap3A_208 = vector.shape_cast %swap3A_207 : vector<1x16xf32> to vector<16xf32>
        %swap3A_209 = vector.shape_cast %get3A_204 : vector<16xf32> to vector<1x16xf32>
        tpu.vector_store %arg9[%swap3A_205, %swap3A_206], %swap3A_209 {add = true, strides = array<i32>} : memref<200x128xf32, #tpu.memory_space<vmem>>, vector<1x16xf32>,
        %get3A_210 = arith.index_cast %add3A_157 : i32 to index
        %get3A_211 = arith.constant 96 : index
        %get3A_212 = tpu.vector_load %arg7[%get3A_210, %get3A_211] {strides = array<i32>} : memref<200x128xf32, #tpu.memory_space<vmem>>, vector<1x16xf32>,
        %get3A_213 = vector.shape_cast %get3A_212 : vector<1x16xf32> to vector<16xf32>
        %swap3A_214 = arith.index_cast %add3A_157 : i32 to index
        %swap3A_215 = arith.constant 96 : index
        %swap3A_216 = tpu.vector_load %arg9[%swap3A_214, %swap3A_215] {strides = array<i32>} : memref<200x128xf32, #tpu.memory_space<vmem>>, vector<1x16xf32>,
        %swap3A_217 = vector.shape_cast %swap3A_216 : vector<1x16xf32> to vector<16xf32>
        %swap3A_218 = vector.shape_cast %get3A_213 : vector<16xf32> to vector<1x16xf32>
        tpu.vector_store %arg9[%swap3A_214, %swap3A_215], %swap3A_218 {add = true, strides = array<i32>} : memref<200x128xf32, #tpu.memory_space<vmem>>, vector<1x16xf32>,
        %get3A_219 = arith.index_cast %add3A_157 : i32 to index
        %get3A_220 = arith.constant 112 : index
        %get3A_221 = tpu.vector_load %arg7[%get3A_219, %get3A_220] {strides = array<i32>} : memref<200x128xf32, #tpu.memory_space<vmem>>, vector<1x16xf32>,
        %get3A_222 = vector.shape_cast %get3A_221 : vector<1x16xf32> to vector<16xf32>
        %swap3A_223 = arith.index_cast %add3A_157 : i32 to index
        %swap3A_224 = arith.constant 112 : index
        %swap3A_225 = tpu.vector_load %arg9[%swap3A_223, %swap3A_224] {strides = array<i32>} : memref<200x128xf32, #tpu.memory_space<vmem>>, vector<1x16xf32>,
        %swap3A_226 = vector.shape_cast %swap3A_225 : vector<1x16xf32> to vector<16xf32>
        %swap3A_227 = vector.shape_cast %get3A_222 : vector<16xf32> to vector<1x16xf32>
        tpu.vector_store %arg9[%swap3A_223, %swap3A_224], %swap3A_227 {add = true, strides = array<i32>} : memref<200x128xf32, #tpu.memory_space<vmem>>, vector<1x16xf32>,
      }
      %scan3A_112 = arith.constant 200 : i32
      %add3A_113 = arith.addi %mul3A_2, %add3A_102 : i32
      %mul3A_114 = arith.constant 200 : i32
      %mul3A_115 = arith.muli %add3A_113, %mul3A_114 : i32
      %dma_start3A_116 = arith.constant 0 : i32
      %dma_start3A_117 = tpu.memref_slice %arg5[%mul3A_115, %dma_start3A_116] : memref<204800x128xf32, #tpu.memory_space<hbm>> -> memref<200x128xf32, #tpu.memory_space<hbm>>
      %dma_start3A_118 = arith.constant 0 : i32
      %dma_start3A_119 = tpu.memref_slice %arg5[%mul3A_115, %dma_start3A_118] : memref<204800x128xf32, #tpu.memory_space<hbm>> -> memref<200x128xf32, #tpu.memory_space<hbm>>
      tpu.enqueue_dma source(%arg9 : memref<200x128xf32, #tpu.memory_space<vmem>>) target(%dma_start3A_119 : memref<200x128xf32, #tpu.memory_space<hbm>>) target_semaphore(%arg15 : memref<!tpu.dma_semaphore, #tpu.memory_space<semaphore_mem>>)
      %add3A_120 = arith.constant 2 : i32
      %add3A_121 = arith.addi %add3A_102, %add3A_120 : i32
      %lt3A_122 = arith.constant 32 : i32
      %lt3A_123 = arith.cmpi slt, %add3A_121, %lt3A_122 : i32
      %convert_element_type3A_124 = arith.extui %lt3A_123 : i1 to i32
      %cond3A_125 = arith.constant 0 : i32
      %cond3A_126 = arith.cmpi ne, %convert_element_type3A_124, %cond3A_125 : i32
      scf.if %cond3A_126 {
        %ge3A = arith.constant 1 : i32
        %ge3A_153 = arith.cmpi sge, %add3A_102, %ge3A : i32
        %convert_element_type3A_154 = arith.extui %ge3A_153 : i1 to i32
        %cond3A_155 = arith.constant 0 : i32
        %cond3A_156 = arith.cmpi ne, %convert_element_type3A_154, %cond3A_155 : i32
        scf.if %cond3A_156 {
          %mul3A_163 = arith.constant 200 : i32
          %mul3A_164 = arith.muli %mul3A_2, %mul3A_163 : i32
          %dma_wait3A_165 = arith.constant 0 : i32
          %dma_wait3A_166 = tpu.memref_slice %arg5[%mul3A_164, %dma_wait3A_165] : memref<204800x128xf32, #tpu.memory_space<hbm>> -> memref<200x128xf32, #tpu.memory_space<hbm>>
          %dma_wait3A_167 = arith.constant 0 : i32
          %dma_wait3A_168 = tpu.memref_slice %arg5[%mul3A_164, %dma_wait3A_167] : memref<204800x128xf32, #tpu.memory_space<hbm>> -> memref<200x128xf32, #tpu.memory_space<hbm>>
          tpu.wait_dma2 semaphore(%arg14 : memref<!tpu.dma_semaphore, #tpu.memory_space<semaphore_mem>>) src(%arg8 : memref<200x128xf32, #tpu.memory_space<vmem>>) dst(%dma_wait3A_168 : memref<200x128xf32, #tpu.memory_space<hbm>>)
        } else {
        }
        %mul3A_157 = arith.constant 200 : i32
        %mul3A_158 = arith.muli %add3A_121, %mul3A_157 : i32
        %dma_start3A_159 = tpu.memref_slice %arg6[%mul3A_158] : memref<6400xi32, #tpu.memory_space<vmem>> -> memref<200xi32, #tpu.memory_space<vmem>>
        %dma_start3A_160 = arith.constant 0 : i32
        %dma_start3A_161 = arith.constant 0 : i32
        %dma_start3A_162 = tpu.memref_slice %arg3[%dma_start3A_160, %dma_start3A_161] : memref<100000x128xf32, #tpu.memory_space<hbm>> -> memref<100000x128xf32, #tpu.memory_space<hbm>>
        tpu.enqueue_indirect_dma source(%dma_start3A_162 : memref<100000x128xf32, #tpu.memory_space<hbm>>) target(%arg8 : memref<200x128xf32, #tpu.memory_space<vmem>>) offsets(%dma_start3A_159 : memref<200xi32, #tpu.memory_space<vmem>>) semaphore(%arg11 : memref<!tpu.dma_semaphore, #tpu.memory_space<semaphore_mem>>)
      } else {
      }
      %add3A_127 = arith.constant 2 : i32
      %add3A_128 = arith.addi %mul3A_77, %add3A_127 : i32
      %dma_wait3A_129 = arith.constant 0 : i32
      %dma_wait3A_130 = tpu.memref_slice %arg6[%dma_wait3A_129] : memref<6400xi32, #tpu.memory_space<vmem>> -> memref<200xi32, #tpu.memory_space<vmem>>
      %dma_wait3A_131 = arith.constant 0 : i32
      %dma_wait3A_132 = arith.constant 0 : i32
      %dma_wait3A_133 = tpu.memref_slice %arg3[%dma_wait3A_131, %dma_wait3A_132] : memref<100000x128xf32, #tpu.memory_space<hbm>> -> memref<100000x128xf32, #tpu.memory_space<hbm>>
      tpu.wait_indirect_dma semaphore(%arg13 : memref<!tpu.dma_semaphore, #tpu.memory_space<semaphore_mem>>) src(%dma_wait3A_133 : memref<100000x128xf32, #tpu.memory_space<hbm>>) dst(%arg10 : memref<200x128xf32, #tpu.memory_space<vmem>>)
      %scan3A_134 = arith.constant 0 : i32
      %scan3A_135 = arith.constant 200 : i32
      %scan3A_136 = arith.addi %scan3A_134, %scan3A_135 : i32
      %scan3A_137 = arith.constant 1 : i32
      scf.for %scan3A_153 = %scan3A_134 to %scan3A_136 step %scan3A_137  : i32 {
        %mul3A_154 = arith.constant 1 : i32
        %mul3A_155 = arith.muli %scan3A_153, %mul3A_154 : i32
        %add3A_156 = arith.constant 0 : i32
        %add3A_157 = arith.addi %add3A_156, %mul3A_155 : i32
        %get3A = arith.index_cast %add3A_157 : i32 to index
        %get3A_158 = arith.constant 0 : index
        %get3A_159 = tpu.vector_load %arg7[%get3A, %get3A_158] {strides = array<i32>} : memref<200x128xf32, #tpu.memory_space<vmem>>, vector<1x16xf32>,
        %get3A_160 = vector.shape_cast %get3A_159 : vector<1x16xf32> to vector<16xf32>
        %swap3A = arith.index_cast %add3A_157 : i32 to index
        %swap3A_161 = arith.constant 0 : index
        %swap3A_162 = tpu.vector_load %arg10[%swap3A, %swap3A_161] {strides = array<i32>} : memref<200x128xf32, #tpu.memory_space<vmem>>, vector<1x16xf32>,
        %swap3A_163 = vector.shape_cast %swap3A_162 : vector<1x16xf32> to vector<16xf32>
        %swap3A_164 = vector.shape_cast %get3A_160 : vector<16xf32> to vector<1x16xf32>
        tpu.vector_store %arg10[%swap3A, %swap3A_161], %swap3A_164 {add = true, strides = array<i32>} : memref<200x128xf32, #tpu.memory_space<vmem>>, vector<1x16xf32>,
        %get3A_165 = arith.index_cast %add3A_157 : i32 to index
        %get3A_166 = arith.constant 16 : index
        %get3A_167 = tpu.vector_load %arg7[%get3A_165, %get3A_166] {strides = array<i32>} : memref<200x128xf32, #tpu.memory_space<vmem>>, vector<1x16xf32>,
        %get3A_168 = vector.shape_cast %get3A_167 : vector<1x16xf32> to vector<16xf32>
        %swap3A_169 = arith.index_cast %add3A_157 : i32 to index
        %swap3A_170 = arith.constant 16 : index
        %swap3A_171 = tpu.vector_load %arg10[%swap3A_169, %swap3A_170] {strides = array<i32>} : memref<200x128xf32, #tpu.memory_space<vmem>>, vector<1x16xf32>,
        %swap3A_172 = vector.shape_cast %swap3A_171 : vector<1x16xf32> to vector<16xf32>
        %swap3A_173 = vector.shape_cast %get3A_168 : vector<16xf32> to vector<1x16xf32>
        tpu.vector_store %arg10[%swap3A_169, %swap3A_170], %swap3A_173 {add = true, strides = array<i32>} : memref<200x128xf32, #tpu.memory_space<vmem>>, vector<1x16xf32>,
        %get3A_174 = arith.index_cast %add3A_157 : i32 to index
        %get3A_175 = arith.constant 32 : index
        %get3A_176 = tpu.vector_load %arg7[%get3A_174, %get3A_175] {strides = array<i32>} : memref<200x128xf32, #tpu.memory_space<vmem>>, vector<1x16xf32>,
        %get3A_177 = vector.shape_cast %get3A_176 : vector<1x16xf32> to vector<16xf32>
        %swap3A_178 = arith.index_cast %add3A_157 : i32 to index
        %swap3A_179 = arith.constant 32 : index
        %swap3A_180 = tpu.vector_load %arg10[%swap3A_178, %swap3A_179] {strides = array<i32>} : memref<200x128xf32, #tpu.memory_space<vmem>>, vector<1x16xf32>,
        %swap3A_181 = vector.shape_cast %swap3A_180 : vector<1x16xf32> to vector<16xf32>
        %swap3A_182 = vector.shape_cast %get3A_177 : vector<16xf32> to vector<1x16xf32>
        tpu.vector_store %arg10[%swap3A_178, %swap3A_179], %swap3A_182 {add = true, strides = array<i32>} : memref<200x128xf32, #tpu.memory_space<vmem>>, vector<1x16xf32>,
        %get3A_183 = arith.index_cast %add3A_157 : i32 to index
        %get3A_184 = arith.constant 48 : index
        %get3A_185 = tpu.vector_load %arg7[%get3A_183, %get3A_184] {strides = array<i32>} : memref<200x128xf32, #tpu.memory_space<vmem>>, vector<1x16xf32>,
        %get3A_186 = vector.shape_cast %get3A_185 : vector<1x16xf32> to vector<16xf32>
        %swap3A_187 = arith.index_cast %add3A_157 : i32 to index
        %swap3A_188 = arith.constant 48 : index
        %swap3A_189 = tpu.vector_load %arg10[%swap3A_187, %swap3A_188] {strides = array<i32>} : memref<200x128xf32, #tpu.memory_space<vmem>>, vector<1x16xf32>,
        %swap3A_190 = vector.shape_cast %swap3A_189 : vector<1x16xf32> to vector<16xf32>
        %swap3A_191 = vector.shape_cast %get3A_186 : vector<16xf32> to vector<1x16xf32>
        tpu.vector_store %arg10[%swap3A_187, %swap3A_188], %swap3A_191 {add = true, strides = array<i32>} : memref<200x128xf32, #tpu.memory_space<vmem>>, vector<1x16xf32>,
        %get3A_192 = arith.index_cast %add3A_157 : i32 to index
        %get3A_193 = arith.constant 64 : index
        %get3A_194 = tpu.vector_load %arg7[%get3A_192, %get3A_193] {strides = array<i32>} : memref<200x128xf32, #tpu.memory_space<vmem>>, vector<1x16xf32>,
        %get3A_195 = vector.shape_cast %get3A_194 : vector<1x16xf32> to vector<16xf32>
        %swap3A_196 = arith.index_cast %add3A_157 : i32 to index
        %swap3A_197 = arith.constant 64 : index
        %swap3A_198 = tpu.vector_load %arg10[%swap3A_196, %swap3A_197] {strides = array<i32>} : memref<200x128xf32, #tpu.memory_space<vmem>>, vector<1x16xf32>,
        %swap3A_199 = vector.shape_cast %swap3A_198 : vector<1x16xf32> to vector<16xf32>
        %swap3A_200 = vector.shape_cast %get3A_195 : vector<16xf32> to vector<1x16xf32>
        tpu.vector_store %arg10[%swap3A_196, %swap3A_197], %swap3A_200 {add = true, strides = array<i32>} : memref<200x128xf32, #tpu.memory_space<vmem>>, vector<1x16xf32>,
        %get3A_201 = arith.index_cast %add3A_157 : i32 to index
        %get3A_202 = arith.constant 80 : index
        %get3A_203 = tpu.vector_load %arg7[%get3A_201, %get3A_202] {strides = array<i32>} : memref<200x128xf32, #tpu.memory_space<vmem>>, vector<1x16xf32>,
        %get3A_204 = vector.shape_cast %get3A_203 : vector<1x16xf32> to vector<16xf32>
        %swap3A_205 = arith.index_cast %add3A_157 : i32 to index
        %swap3A_206 = arith.constant 80 : index
        %swap3A_207 = tpu.vector_load %arg10[%swap3A_205, %swap3A_206] {strides = array<i32>} : memref<200x128xf32, #tpu.memory_space<vmem>>, vector<1x16xf32>,
        %swap3A_208 = vector.shape_cast %swap3A_207 : vector<1x16xf32> to vector<16xf32>
        %swap3A_209 = vector.shape_cast %get3A_204 : vector<16xf32> to vector<1x16xf32>
        tpu.vector_store %arg10[%swap3A_205, %swap3A_206], %swap3A_209 {add = true, strides = array<i32>} : memref<200x128xf32, #tpu.memory_space<vmem>>, vector<1x16xf32>,
        %get3A_210 = arith.index_cast %add3A_157 : i32 to index
        %get3A_211 = arith.constant 96 : index
        %get3A_212 = tpu.vector_load %arg7[%get3A_210, %get3A_211] {strides = array<i32>} : memref<200x128xf32, #tpu.memory_space<vmem>>, vector<1x16xf32>,
        %get3A_213 = vector.shape_cast %get3A_212 : vector<1x16xf32> to vector<16xf32>
        %swap3A_214 = arith.index_cast %add3A_157 : i32 to index
        %swap3A_215 = arith.constant 96 : index
        %swap3A_216 = tpu.vector_load %arg10[%swap3A_214, %swap3A_215] {strides = array<i32>} : memref<200x128xf32, #tpu.memory_space<vmem>>, vector<1x16xf32>,
        %swap3A_217 = vector.shape_cast %swap3A_216 : vector<1x16xf32> to vector<16xf32>
        %swap3A_218 = vector.shape_cast %get3A_213 : vector<16xf32> to vector<1x16xf32>
        tpu.vector_store %arg10[%swap3A_214, %swap3A_215], %swap3A_218 {add = true, strides = array<i32>} : memref<200x128xf32, #tpu.memory_space<vmem>>, vector<1x16xf32>,
        %get3A_219 = arith.index_cast %add3A_157 : i32 to index
        %get3A_220 = arith.constant 112 : index
        %get3A_221 = tpu.vector_load %arg7[%get3A_219, %get3A_220] {strides = array<i32>} : memref<200x128xf32, #tpu.memory_space<vmem>>, vector<1x16xf32>,
        %get3A_222 = vector.shape_cast %get3A_221 : vector<1x16xf32> to vector<16xf32>
        %swap3A_223 = arith.index_cast %add3A_157 : i32 to index
        %swap3A_224 = arith.constant 112 : index
        %swap3A_225 = tpu.vector_load %arg10[%swap3A_223, %swap3A_224] {strides = array<i32>} : memref<200x128xf32, #tpu.memory_space<vmem>>, vector<1x16xf32>,
        %swap3A_226 = vector.shape_cast %swap3A_225 : vector<1x16xf32> to vector<16xf32>
        %swap3A_227 = vector.shape_cast %get3A_222 : vector<16xf32> to vector<1x16xf32>
        tpu.vector_store %arg10[%swap3A_223, %swap3A_224], %swap3A_227 {add = true, strides = array<i32>} : memref<200x128xf32, #tpu.memory_space<vmem>>, vector<1x16xf32>,
      }
      %scan3A_138 = arith.constant 200 : i32
      %add3A_139 = arith.addi %mul3A_2, %add3A_128 : i32
      %mul3A_140 = arith.constant 200 : i32
      %mul3A_141 = arith.muli %add3A_139, %mul3A_140 : i32
      %dma_start3A_142 = arith.constant 0 : i32
      %dma_start3A_143 = tpu.memref_slice %arg5[%mul3A_141, %dma_start3A_142] : memref<204800x128xf32, #tpu.memory_space<hbm>> -> memref<200x128xf32, #tpu.memory_space<hbm>>
      %dma_start3A_144 = arith.constant 0 : i32
      %dma_start3A_145 = tpu.memref_slice %arg5[%mul3A_141, %dma_start3A_144] : memref<204800x128xf32, #tpu.memory_space<hbm>> -> memref<200x128xf32, #tpu.memory_space<hbm>>
      tpu.enqueue_dma source(%arg10 : memref<200x128xf32, #tpu.memory_space<vmem>>) target(%dma_start3A_145 : memref<200x128xf32, #tpu.memory_space<hbm>>) target_semaphore(%arg16 : memref<!tpu.dma_semaphore, #tpu.memory_space<semaphore_mem>>)
      %add3A_146 = arith.constant 2 : i32
      %add3A_147 = arith.addi %add3A_128, %add3A_146 : i32
      %lt3A_148 = arith.constant 32 : i32
      %lt3A_149 = arith.cmpi slt, %add3A_147, %lt3A_148 : i32
      %convert_element_type3A_150 = arith.extui %lt3A_149 : i1 to i32
      %cond3A_151 = arith.constant 0 : i32
      %cond3A_152 = arith.cmpi ne, %convert_element_type3A_150, %cond3A_151 : i32
      scf.if %cond3A_152 {
        %ge3A = arith.constant 1 : i32
        %ge3A_153 = arith.cmpi sge, %add3A_128, %ge3A : i32
        %convert_element_type3A_154 = arith.extui %ge3A_153 : i1 to i32
        %cond3A_155 = arith.constant 0 : i32
        %cond3A_156 = arith.cmpi ne, %convert_element_type3A_154, %cond3A_155 : i32
        scf.if %cond3A_156 {
          %mul3A_163 = arith.constant 200 : i32
          %mul3A_164 = arith.muli %mul3A_2, %mul3A_163 : i32
          %dma_wait3A_165 = arith.constant 0 : i32
          %dma_wait3A_166 = tpu.memref_slice %arg5[%mul3A_164, %dma_wait3A_165] : memref<204800x128xf32, #tpu.memory_space<hbm>> -> memref<200x128xf32, #tpu.memory_space<hbm>>
          %dma_wait3A_167 = arith.constant 0 : i32
          %dma_wait3A_168 = tpu.memref_slice %arg5[%mul3A_164, %dma_wait3A_167] : memref<204800x128xf32, #tpu.memory_space<hbm>> -> memref<200x128xf32, #tpu.memory_space<hbm>>
          tpu.wait_dma2 semaphore(%arg15 : memref<!tpu.dma_semaphore, #tpu.memory_space<semaphore_mem>>) src(%arg9 : memref<200x128xf32, #tpu.memory_space<vmem>>) dst(%dma_wait3A_168 : memref<200x128xf32, #tpu.memory_space<hbm>>)
        } else {
        }
        %mul3A_157 = arith.constant 200 : i32
        %mul3A_158 = arith.muli %add3A_147, %mul3A_157 : i32
        %dma_start3A_159 = tpu.memref_slice %arg6[%mul3A_158] : memref<6400xi32, #tpu.memory_space<vmem>> -> memref<200xi32, #tpu.memory_space<vmem>>
        %dma_start3A_160 = arith.constant 0 : i32
        %dma_start3A_161 = arith.constant 0 : i32
        %dma_start3A_162 = tpu.memref_slice %arg3[%dma_start3A_160, %dma_start3A_161] : memref<100000x128xf32, #tpu.memory_space<hbm>> -> memref<100000x128xf32, #tpu.memory_space<hbm>>
        tpu.enqueue_indirect_dma source(%dma_start3A_162 : memref<100000x128xf32, #tpu.memory_space<hbm>>) target(%arg9 : memref<200x128xf32, #tpu.memory_space<vmem>>) offsets(%dma_start3A_159 : memref<200xi32, #tpu.memory_space<vmem>>) semaphore(%arg12 : memref<!tpu.dma_semaphore, #tpu.memory_space<semaphore_mem>>)
      } else {
      }
    }
    %scan3A_17 = arith.constant 10 : i32
    %dma_wait3A = arith.constant 0 : i32
    %dma_wait3A_18 = tpu.memref_slice %arg6[%dma_wait3A] : memref<6400xi32, #tpu.memory_space<vmem>> -> memref<200xi32, #tpu.memory_space<vmem>>
    %dma_wait3A_19 = arith.constant 0 : i32
    %dma_wait3A_20 = arith.constant 0 : i32
    %dma_wait3A_21 = tpu.memref_slice %arg3[%dma_wait3A_19, %dma_wait3A_20] : memref<100000x128xf32, #tpu.memory_space<hbm>> -> memref<100000x128xf32, #tpu.memory_space<hbm>>
    tpu.wait_indirect_dma semaphore(%arg11 : memref<!tpu.dma_semaphore, #tpu.memory_space<semaphore_mem>>) src(%dma_wait3A_21 : memref<100000x128xf32, #tpu.memory_space<hbm>>) dst(%arg8 : memref<200x128xf32, #tpu.memory_space<vmem>>)
    %scan3A_22 = arith.constant 0 : i32
    %scan3A_23 = arith.constant 200 : i32
    %scan3A_24 = arith.addi %scan3A_22, %scan3A_23 : i32
    %scan3A_25 = arith.constant 1 : i32
    scf.for %scan3A_71 = %scan3A_22 to %scan3A_24 step %scan3A_25  : i32 {
      %mul3A_72 = arith.constant 1 : i32
      %mul3A_73 = arith.muli %scan3A_71, %mul3A_72 : i32
      %add3A_74 = arith.constant 0 : i32
      %add3A_75 = arith.addi %add3A_74, %mul3A_73 : i32
      %get3A = arith.index_cast %add3A_75 : i32 to index
      %get3A_76 = arith.constant 0 : index
      %get3A_77 = tpu.vector_load %arg7[%get3A, %get3A_76] {strides = array<i32>} : memref<200x128xf32, #tpu.memory_space<vmem>>, vector<1x16xf32>,
      %get3A_78 = vector.shape_cast %get3A_77 : vector<1x16xf32> to vector<16xf32>
      %swap3A = arith.index_cast %add3A_75 : i32 to index
      %swap3A_79 = arith.constant 0 : index
      %swap3A_80 = tpu.vector_load %arg8[%swap3A, %swap3A_79] {strides = array<i32>} : memref<200x128xf32, #tpu.memory_space<vmem>>, vector<1x16xf32>,
      %swap3A_81 = vector.shape_cast %swap3A_80 : vector<1x16xf32> to vector<16xf32>
      %swap3A_82 = vector.shape_cast %get3A_78 : vector<16xf32> to vector<1x16xf32>
      tpu.vector_store %arg8[%swap3A, %swap3A_79], %swap3A_82 {add = true, strides = array<i32>} : memref<200x128xf32, #tpu.memory_space<vmem>>, vector<1x16xf32>,
      %get3A_83 = arith.index_cast %add3A_75 : i32 to index
      %get3A_84 = arith.constant 16 : index
      %get3A_85 = tpu.vector_load %arg7[%get3A_83, %get3A_84] {strides = array<i32>} : memref<200x128xf32, #tpu.memory_space<vmem>>, vector<1x16xf32>,
      %get3A_86 = vector.shape_cast %get3A_85 : vector<1x16xf32> to vector<16xf32>
      %swap3A_87 = arith.index_cast %add3A_75 : i32 to index
      %swap3A_88 = arith.constant 16 : index
      %swap3A_89 = tpu.vector_load %arg8[%swap3A_87, %swap3A_88] {strides = array<i32>} : memref<200x128xf32, #tpu.memory_space<vmem>>, vector<1x16xf32>,
      %swap3A_90 = vector.shape_cast %swap3A_89 : vector<1x16xf32> to vector<16xf32>
      %swap3A_91 = vector.shape_cast %get3A_86 : vector<16xf32> to vector<1x16xf32>
      tpu.vector_store %arg8[%swap3A_87, %swap3A_88], %swap3A_91 {add = true, strides = array<i32>} : memref<200x128xf32, #tpu.memory_space<vmem>>, vector<1x16xf32>,
      %get3A_92 = arith.index_cast %add3A_75 : i32 to index
      %get3A_93 = arith.constant 32 : index
      %get3A_94 = tpu.vector_load %arg7[%get3A_92, %get3A_93] {strides = array<i32>} : memref<200x128xf32, #tpu.memory_space<vmem>>, vector<1x16xf32>,
      %get3A_95 = vector.shape_cast %get3A_94 : vector<1x16xf32> to vector<16xf32>
      %swap3A_96 = arith.index_cast %add3A_75 : i32 to index
      %swap3A_97 = arith.constant 32 : index
      %swap3A_98 = tpu.vector_load %arg8[%swap3A_96, %swap3A_97] {strides = array<i32>} : memref<200x128xf32, #tpu.memory_space<vmem>>, vector<1x16xf32>,
      %swap3A_99 = vector.shape_cast %swap3A_98 : vector<1x16xf32> to vector<16xf32>
      %swap3A_100 = vector.shape_cast %get3A_95 : vector<16xf32> to vector<1x16xf32>
      tpu.vector_store %arg8[%swap3A_96, %swap3A_97], %swap3A_100 {add = true, strides = array<i32>} : memref<200x128xf32, #tpu.memory_space<vmem>>, vector<1x16xf32>,
      %get3A_101 = arith.index_cast %add3A_75 : i32 to index
      %get3A_102 = arith.constant 48 : index
      %get3A_103 = tpu.vector_load %arg7[%get3A_101, %get3A_102] {strides = array<i32>} : memref<200x128xf32, #tpu.memory_space<vmem>>, vector<1x16xf32>,
      %get3A_104 = vector.shape_cast %get3A_103 : vector<1x16xf32> to vector<16xf32>
      %swap3A_105 = arith.index_cast %add3A_75 : i32 to index
      %swap3A_106 = arith.constant 48 : index
      %swap3A_107 = tpu.vector_load %arg8[%swap3A_105, %swap3A_106] {strides = array<i32>} : memref<200x128xf32, #tpu.memory_space<vmem>>, vector<1x16xf32>,
      %swap3A_108 = vector.shape_cast %swap3A_107 : vector<1x16xf32> to vector<16xf32>
      %swap3A_109 = vector.shape_cast %get3A_104 : vector<16xf32> to vector<1x16xf32>
      tpu.vector_store %arg8[%swap3A_105, %swap3A_106], %swap3A_109 {add = true, strides = array<i32>} : memref<200x128xf32, #tpu.memory_space<vmem>>, vector<1x16xf32>,
      %get3A_110 = arith.index_cast %add3A_75 : i32 to index
      %get3A_111 = arith.constant 64 : index
      %get3A_112 = tpu.vector_load %arg7[%get3A_110, %get3A_111] {strides = array<i32>} : memref<200x128xf32, #tpu.memory_space<vmem>>, vector<1x16xf32>,
      %get3A_113 = vector.shape_cast %get3A_112 : vector<1x16xf32> to vector<16xf32>
      %swap3A_114 = arith.index_cast %add3A_75 : i32 to index
      %swap3A_115 = arith.constant 64 : index
      %swap3A_116 = tpu.vector_load %arg8[%swap3A_114, %swap3A_115] {strides = array<i32>} : memref<200x128xf32, #tpu.memory_space<vmem>>, vector<1x16xf32>,
      %swap3A_117 = vector.shape_cast %swap3A_116 : vector<1x16xf32> to vector<16xf32>
      %swap3A_118 = vector.shape_cast %get3A_113 : vector<16xf32> to vector<1x16xf32>
      tpu.vector_store %arg8[%swap3A_114, %swap3A_115], %swap3A_118 {add = true, strides = array<i32>} : memref<200x128xf32, #tpu.memory_space<vmem>>, vector<1x16xf32>,
      %get3A_119 = arith.index_cast %add3A_75 : i32 to index
      %get3A_120 = arith.constant 80 : index
      %get3A_121 = tpu.vector_load %arg7[%get3A_119, %get3A_120] {strides = array<i32>} : memref<200x128xf32, #tpu.memory_space<vmem>>, vector<1x16xf32>,
      %get3A_122 = vector.shape_cast %get3A_121 : vector<1x16xf32> to vector<16xf32>
      %swap3A_123 = arith.index_cast %add3A_75 : i32 to index
      %swap3A_124 = arith.constant 80 : index
      %swap3A_125 = tpu.vector_load %arg8[%swap3A_123, %swap3A_124] {strides = array<i32>} : memref<200x128xf32, #tpu.memory_space<vmem>>, vector<1x16xf32>,
      %swap3A_126 = vector.shape_cast %swap3A_125 : vector<1x16xf32> to vector<16xf32>
      %swap3A_127 = vector.shape_cast %get3A_122 : vector<16xf32> to vector<1x16xf32>
      tpu.vector_store %arg8[%swap3A_123, %swap3A_124], %swap3A_127 {add = true, strides = array<i32>} : memref<200x128xf32, #tpu.memory_space<vmem>>, vector<1x16xf32>,
      %get3A_128 = arith.index_cast %add3A_75 : i32 to index
      %get3A_129 = arith.constant 96 : index
      %get3A_130 = tpu.vector_load %arg7[%get3A_128, %get3A_129] {strides = array<i32>} : memref<200x128xf32, #tpu.memory_space<vmem>>, vector<1x16xf32>,
      %get3A_131 = vector.shape_cast %get3A_130 : vector<1x16xf32> to vector<16xf32>
      %swap3A_132 = arith.index_cast %add3A_75 : i32 to index
      %swap3A_133 = arith.constant 96 : index
      %swap3A_134 = tpu.vector_load %arg8[%swap3A_132, %swap3A_133] {strides = array<i32>} : memref<200x128xf32, #tpu.memory_space<vmem>>, vector<1x16xf32>,
      %swap3A_135 = vector.shape_cast %swap3A_134 : vector<1x16xf32> to vector<16xf32>
      %swap3A_136 = vector.shape_cast %get3A_131 : vector<16xf32> to vector<1x16xf32>
      tpu.vector_store %arg8[%swap3A_132, %swap3A_133], %swap3A_136 {add = true, strides = array<i32>} : memref<200x128xf32, #tpu.memory_space<vmem>>, vector<1x16xf32>,
      %get3A_137 = arith.index_cast %add3A_75 : i32 to index
      %get3A_138 = arith.constant 112 : index
      %get3A_139 = tpu.vector_load %arg7[%get3A_137, %get3A_138] {strides = array<i32>} : memref<200x128xf32, #tpu.memory_space<vmem>>, vector<1x16xf32>,
      %get3A_140 = vector.shape_cast %get3A_139 : vector<1x16xf32> to vector<16xf32>
      %swap3A_141 = arith.index_cast %add3A_75 : i32 to index
      %swap3A_142 = arith.constant 112 : index
      %swap3A_143 = tpu.vector_load %arg8[%swap3A_141, %swap3A_142] {strides = array<i32>} : memref<200x128xf32, #tpu.memory_space<vmem>>, vector<1x16xf32>,
      %swap3A_144 = vector.shape_cast %swap3A_143 : vector<1x16xf32> to vector<16xf32>
      %swap3A_145 = vector.shape_cast %get3A_140 : vector<16xf32> to vector<1x16xf32>
      tpu.vector_store %arg8[%swap3A_141, %swap3A_142], %swap3A_145 {add = true, strides = array<i32>} : memref<200x128xf32, #tpu.memory_space<vmem>>, vector<1x16xf32>,
    }
    %scan3A_26 = arith.constant 200 : i32
    %add3A_27 = arith.constant 30 : i32
    %add3A_28 = arith.addi %mul3A_2, %add3A_27 : i32
    %mul3A_29 = arith.constant 200 : i32
    %mul3A_30 = arith.muli %add3A_28, %mul3A_29 : i32
    %dma_start3A_31 = arith.constant 0 : i32
    %dma_start3A_32 = tpu.memref_slice %arg5[%mul3A_30, %dma_start3A_31] : memref<204800x128xf32, #tpu.memory_space<hbm>> -> memref<200x128xf32, #tpu.memory_space<hbm>>
    %dma_start3A_33 = arith.constant 0 : i32
    %dma_start3A_34 = tpu.memref_slice %arg5[%mul3A_30, %dma_start3A_33] : memref<204800x128xf32, #tpu.memory_space<hbm>> -> memref<200x128xf32, #tpu.memory_space<hbm>>
    tpu.enqueue_dma source(%arg8 : memref<200x128xf32, #tpu.memory_space<vmem>>) target(%dma_start3A_34 : memref<200x128xf32, #tpu.memory_space<hbm>>) target_semaphore(%arg14 : memref<!tpu.dma_semaphore, #tpu.memory_space<semaphore_mem>>)
    %dma_wait3A_35 = arith.constant 0 : i32
    %dma_wait3A_36 = tpu.memref_slice %arg6[%dma_wait3A_35] : memref<6400xi32, #tpu.memory_space<vmem>> -> memref<200xi32, #tpu.memory_space<vmem>>
    %dma_wait3A_37 = arith.constant 0 : i32
    %dma_wait3A_38 = arith.constant 0 : i32
    %dma_wait3A_39 = tpu.memref_slice %arg3[%dma_wait3A_37, %dma_wait3A_38] : memref<100000x128xf32, #tpu.memory_space<hbm>> -> memref<100000x128xf32, #tpu.memory_space<hbm>>
    tpu.wait_indirect_dma semaphore(%arg12 : memref<!tpu.dma_semaphore, #tpu.memory_space<semaphore_mem>>) src(%dma_wait3A_39 : memref<100000x128xf32, #tpu.memory_space<hbm>>) dst(%arg9 : memref<200x128xf32, #tpu.memory_space<vmem>>)
    %scan3A_40 = arith.constant 0 : i32
    %scan3A_41 = arith.constant 200 : i32
    %scan3A_42 = arith.addi %scan3A_40, %scan3A_41 : i32
    %scan3A_43 = arith.constant 1 : i32
    scf.for %scan3A_71 = %scan3A_40 to %scan3A_42 step %scan3A_43  : i32 {
      %mul3A_72 = arith.constant 1 : i32
      %mul3A_73 = arith.muli %scan3A_71, %mul3A_72 : i32
      %add3A_74 = arith.constant 0 : i32
      %add3A_75 = arith.addi %add3A_74, %mul3A_73 : i32
      %get3A = arith.index_cast %add3A_75 : i32 to index
      %get3A_76 = arith.constant 0 : index
      %get3A_77 = tpu.vector_load %arg7[%get3A, %get3A_76] {strides = array<i32>} : memref<200x128xf32, #tpu.memory_space<vmem>>, vector<1x16xf32>,
      %get3A_78 = vector.shape_cast %get3A_77 : vector<1x16xf32> to vector<16xf32>
      %swap3A = arith.index_cast %add3A_75 : i32 to index
      %swap3A_79 = arith.constant 0 : index
      %swap3A_80 = tpu.vector_load %arg9[%swap3A, %swap3A_79] {strides = array<i32>} : memref<200x128xf32, #tpu.memory_space<vmem>>, vector<1x16xf32>,
      %swap3A_81 = vector.shape_cast %swap3A_80 : vector<1x16xf32> to vector<16xf32>
      %swap3A_82 = vector.shape_cast %get3A_78 : vector<16xf32> to vector<1x16xf32>
      tpu.vector_store %arg9[%swap3A, %swap3A_79], %swap3A_82 {add = true, strides = array<i32>} : memref<200x128xf32, #tpu.memory_space<vmem>>, vector<1x16xf32>,
      %get3A_83 = arith.index_cast %add3A_75 : i32 to index
      %get3A_84 = arith.constant 16 : index
      %get3A_85 = tpu.vector_load %arg7[%get3A_83, %get3A_84] {strides = array<i32>} : memref<200x128xf32, #tpu.memory_space<vmem>>, vector<1x16xf32>,
      %get3A_86 = vector.shape_cast %get3A_85 : vector<1x16xf32> to vector<16xf32>
      %swap3A_87 = arith.index_cast %add3A_75 : i32 to index
      %swap3A_88 = arith.constant 16 : index
      %swap3A_89 = tpu.vector_load %arg9[%swap3A_87, %swap3A_88] {strides = array<i32>} : memref<200x128xf32, #tpu.memory_space<vmem>>, vector<1x16xf32>,
      %swap3A_90 = vector.shape_cast %swap3A_89 : vector<1x16xf32> to vector<16xf32>
      %swap3A_91 = vector.shape_cast %get3A_86 : vector<16xf32> to vector<1x16xf32>
      tpu.vector_store %arg9[%swap3A_87, %swap3A_88], %swap3A_91 {add = true, strides = array<i32>} : memref<200x128xf32, #tpu.memory_space<vmem>>, vector<1x16xf32>,
      %get3A_92 = arith.index_cast %add3A_75 : i32 to index
      %get3A_93 = arith.constant 32 : index
      %get3A_94 = tpu.vector_load %arg7[%get3A_92, %get3A_93] {strides = array<i32>} : memref<200x128xf32, #tpu.memory_space<vmem>>, vector<1x16xf32>,
      %get3A_95 = vector.shape_cast %get3A_94 : vector<1x16xf32> to vector<16xf32>
      %swap3A_96 = arith.index_cast %add3A_75 : i32 to index
      %swap3A_97 = arith.constant 32 : index
      %swap3A_98 = tpu.vector_load %arg9[%swap3A_96, %swap3A_97] {strides = array<i32>} : memref<200x128xf32, #tpu.memory_space<vmem>>, vector<1x16xf32>,
      %swap3A_99 = vector.shape_cast %swap3A_98 : vector<1x16xf32> to vector<16xf32>
      %swap3A_100 = vector.shape_cast %get3A_95 : vector<16xf32> to vector<1x16xf32>
      tpu.vector_store %arg9[%swap3A_96, %swap3A_97], %swap3A_100 {add = true, strides = array<i32>} : memref<200x128xf32, #tpu.memory_space<vmem>>, vector<1x16xf32>,
      %get3A_101 = arith.index_cast %add3A_75 : i32 to index
      %get3A_102 = arith.constant 48 : index
      %get3A_103 = tpu.vector_load %arg7[%get3A_101, %get3A_102] {strides = array<i32>} : memref<200x128xf32, #tpu.memory_space<vmem>>, vector<1x16xf32>,
      %get3A_104 = vector.shape_cast %get3A_103 : vector<1x16xf32> to vector<16xf32>
      %swap3A_105 = arith.index_cast %add3A_75 : i32 to index
      %swap3A_106 = arith.constant 48 : index
      %swap3A_107 = tpu.vector_load %arg9[%swap3A_105, %swap3A_106] {strides = array<i32>} : memref<200x128xf32, #tpu.memory_space<vmem>>, vector<1x16xf32>,
      %swap3A_108 = vector.shape_cast %swap3A_107 : vector<1x16xf32> to vector<16xf32>
      %swap3A_109 = vector.shape_cast %get3A_104 : vector<16xf32> to vector<1x16xf32>
      tpu.vector_store %arg9[%swap3A_105, %swap3A_106], %swap3A_109 {add = true, strides = array<i32>} : memref<200x128xf32, #tpu.memory_space<vmem>>, vector<1x16xf32>,
      %get3A_110 = arith.index_cast %add3A_75 : i32 to index
      %get3A_111 = arith.constant 64 : index
      %get3A_112 = tpu.vector_load %arg7[%get3A_110, %get3A_111] {strides = array<i32>} : memref<200x128xf32, #tpu.memory_space<vmem>>, vector<1x16xf32>,
      %get3A_113 = vector.shape_cast %get3A_112 : vector<1x16xf32> to vector<16xf32>
      %swap3A_114 = arith.index_cast %add3A_75 : i32 to index
      %swap3A_115 = arith.constant 64 : index
      %swap3A_116 = tpu.vector_load %arg9[%swap3A_114, %swap3A_115] {strides = array<i32>} : memref<200x128xf32, #tpu.memory_space<vmem>>, vector<1x16xf32>,
      %swap3A_117 = vector.shape_cast %swap3A_116 : vector<1x16xf32> to vector<16xf32>
      %swap3A_118 = vector.shape_cast %get3A_113 : vector<16xf32> to vector<1x16xf32>
      tpu.vector_store %arg9[%swap3A_114, %swap3A_115], %swap3A_118 {add = true, strides = array<i32>} : memref<200x128xf32, #tpu.memory_space<vmem>>, vector<1x16xf32>,
      %get3A_119 = arith.index_cast %add3A_75 : i32 to index
      %get3A_120 = arith.constant 80 : index
      %get3A_121 = tpu.vector_load %arg7[%get3A_119, %get3A_120] {strides = array<i32>} : memref<200x128xf32, #tpu.memory_space<vmem>>, vector<1x16xf32>,
      %get3A_122 = vector.shape_cast %get3A_121 : vector<1x16xf32> to vector<16xf32>
      %swap3A_123 = arith.index_cast %add3A_75 : i32 to index
      %swap3A_124 = arith.constant 80 : index
      %swap3A_125 = tpu.vector_load %arg9[%swap3A_123, %swap3A_124] {strides = array<i32>} : memref<200x128xf32, #tpu.memory_space<vmem>>, vector<1x16xf32>,
      %swap3A_126 = vector.shape_cast %swap3A_125 : vector<1x16xf32> to vector<16xf32>
      %swap3A_127 = vector.shape_cast %get3A_122 : vector<16xf32> to vector<1x16xf32>
      tpu.vector_store %arg9[%swap3A_123, %swap3A_124], %swap3A_127 {add = true, strides = array<i32>} : memref<200x128xf32, #tpu.memory_space<vmem>>, vector<1x16xf32>,
      %get3A_128 = arith.index_cast %add3A_75 : i32 to index
      %get3A_129 = arith.constant 96 : index
      %get3A_130 = tpu.vector_load %arg7[%get3A_128, %get3A_129] {strides = array<i32>} : memref<200x128xf32, #tpu.memory_space<vmem>>, vector<1x16xf32>,
      %get3A_131 = vector.shape_cast %get3A_130 : vector<1x16xf32> to vector<16xf32>
      %swap3A_132 = arith.index_cast %add3A_75 : i32 to index
      %swap3A_133 = arith.constant 96 : index
      %swap3A_134 = tpu.vector_load %arg9[%swap3A_132, %swap3A_133] {strides = array<i32>} : memref<200x128xf32, #tpu.memory_space<vmem>>, vector<1x16xf32>,
      %swap3A_135 = vector.shape_cast %swap3A_134 : vector<1x16xf32> to vector<16xf32>
      %swap3A_136 = vector.shape_cast %get3A_131 : vector<16xf32> to vector<1x16xf32>
      tpu.vector_store %arg9[%swap3A_132, %swap3A_133], %swap3A_136 {add = true, strides = array<i32>} : memref<200x128xf32, #tpu.memory_space<vmem>>, vector<1x16xf32>,
      %get3A_137 = arith.index_cast %add3A_75 : i32 to index
      %get3A_138 = arith.constant 112 : index
      %get3A_139 = tpu.vector_load %arg7[%get3A_137, %get3A_138] {strides = array<i32>} : memref<200x128xf32, #tpu.memory_space<vmem>>, vector<1x16xf32>,
      %get3A_140 = vector.shape_cast %get3A_139 : vector<1x16xf32> to vector<16xf32>
      %swap3A_141 = arith.index_cast %add3A_75 : i32 to index
      %swap3A_142 = arith.constant 112 : index
      %swap3A_143 = tpu.vector_load %arg9[%swap3A_141, %swap3A_142] {strides = array<i32>} : memref<200x128xf32, #tpu.memory_space<vmem>>, vector<1x16xf32>,
      %swap3A_144 = vector.shape_cast %swap3A_143 : vector<1x16xf32> to vector<16xf32>
      %swap3A_145 = vector.shape_cast %get3A_140 : vector<16xf32> to vector<1x16xf32>
      tpu.vector_store %arg9[%swap3A_141, %swap3A_142], %swap3A_145 {add = true, strides = array<i32>} : memref<200x128xf32, #tpu.memory_space<vmem>>, vector<1x16xf32>,
    }
    %scan3A_44 = arith.constant 200 : i32
    %add3A_45 = arith.constant 31 : i32
    %add3A_46 = arith.addi %mul3A_2, %add3A_45 : i32
    %mul3A_47 = arith.constant 200 : i32
    %mul3A_48 = arith.muli %add3A_46, %mul3A_47 : i32
    %dma_start3A_49 = arith.constant 0 : i32
    %dma_start3A_50 = tpu.memref_slice %arg5[%mul3A_48, %dma_start3A_49] : memref<204800x128xf32, #tpu.memory_space<hbm>> -> memref<200x128xf32, #tpu.memory_space<hbm>>
    %dma_start3A_51 = arith.constant 0 : i32
    %dma_start3A_52 = tpu.memref_slice %arg5[%mul3A_48, %dma_start3A_51] : memref<204800x128xf32, #tpu.memory_space<hbm>> -> memref<200x128xf32, #tpu.memory_space<hbm>>
    tpu.enqueue_dma source(%arg9 : memref<200x128xf32, #tpu.memory_space<vmem>>) target(%dma_start3A_52 : memref<200x128xf32, #tpu.memory_space<hbm>>) target_semaphore(%arg15 : memref<!tpu.dma_semaphore, #tpu.memory_space<semaphore_mem>>)
    %mul3A_53 = arith.constant 200 : i32
    %mul3A_54 = arith.muli %mul3A_2, %mul3A_53 : i32
    %dma_wait3A_55 = arith.constant 0 : i32
    %dma_wait3A_56 = tpu.memref_slice %arg5[%mul3A_54, %dma_wait3A_55] : memref<204800x128xf32, #tpu.memory_space<hbm>> -> memref<200x128xf32, #tpu.memory_space<hbm>>
    %dma_wait3A_57 = arith.constant 0 : i32
    %dma_wait3A_58 = tpu.memref_slice %arg5[%mul3A_54, %dma_wait3A_57] : memref<204800x128xf32, #tpu.memory_space<hbm>> -> memref<200x128xf32, #tpu.memory_space<hbm>>
    tpu.wait_dma2 semaphore(%arg14 : memref<!tpu.dma_semaphore, #tpu.memory_space<semaphore_mem>>) src(%arg8 : memref<200x128xf32, #tpu.memory_space<vmem>>) dst(%dma_wait3A_58 : memref<200x128xf32, #tpu.memory_space<hbm>>)
    %mul3A_59 = arith.constant 200 : i32
    %mul3A_60 = arith.muli %mul3A_2, %mul3A_59 : i32
    %dma_wait3A_61 = arith.constant 0 : i32
    %dma_wait3A_62 = tpu.memref_slice %arg5[%mul3A_60, %dma_wait3A_61] : memref<204800x128xf32, #tpu.memory_space<hbm>> -> memref<200x128xf32, #tpu.memory_space<hbm>>
    %dma_wait3A_63 = arith.constant 0 : i32
    %dma_wait3A_64 = tpu.memref_slice %arg5[%mul3A_60, %dma_wait3A_63] : memref<204800x128xf32, #tpu.memory_space<hbm>> -> memref<200x128xf32, #tpu.memory_space<hbm>>
    tpu.wait_dma2 semaphore(%arg15 : memref<!tpu.dma_semaphore, #tpu.memory_space<semaphore_mem>>) src(%arg9 : memref<200x128xf32, #tpu.memory_space<vmem>>) dst(%dma_wait3A_64 : memref<200x128xf32, #tpu.memory_space<hbm>>)
    %mul3A_65 = arith.constant 200 : i32
    %mul3A_66 = arith.muli %mul3A_2, %mul3A_65 : i32
    %dma_wait3A_67 = arith.constant 0 : i32
    %dma_wait3A_68 = tpu.memref_slice %arg5[%mul3A_66, %dma_wait3A_67] : memref<204800x128xf32, #tpu.memory_space<hbm>> -> memref<200x128xf32, #tpu.memory_space<hbm>>
    %dma_wait3A_69 = arith.constant 0 : i32
    %dma_wait3A_70 = tpu.memref_slice %arg5[%mul3A_66, %dma_wait3A_69] : memref<204800x128xf32, #tpu.memory_space<hbm>> -> memref<200x128xf32, #tpu.memory_space<hbm>>
    tpu.wait_dma2 semaphore(%arg16 : memref<!tpu.dma_semaphore, #tpu.memory_space<semaphore_mem>>) src(%arg10 : memref<200x128xf32, #tpu.memory_space<vmem>>) dst(%dma_wait3A_70 : memref<200x128xf32, #tpu.memory_space<hbm>>)
    return
  }
}

</mosaic_0001>

<sc_bundles>
// kernel: kernel.3.cloned.1.call-start
scs
__scs_entry_jumppad:
0x0: {  	(pc) =	sbr.rel $0x88, $3  }
0x1: {  	(tag) =	ssettag $0x0;
	lr =	simm.s32 $0x1  }
0x2: {  	[smem:$0x3F9E] =	sst lr;
	_ =	strace $0xD0000000  }
0x3: {  	_ = 	snop  }
0x4: {  	_ = 	snop  }
0x5: {  	_ = 	snop  }
0x6: {  	_ = 	snop  }
0x7: {  	_ = 	snop  }
__scs_overlays_trampoline_lowered:
0x8: {  	[smem:$0x3FAD] =	sst s0  }
0x9: {  	[smem:$0x3FAE] =	sst s1  }
0xa: {  	[smem:$0x3FAF] =	sst s2  }
0xb: {  	[smem:$0x3FB0] =	sst s3  }
0xc: {  	[smem:$0x3FB1] =	sst s4  }
0xd: {  	[smem:$0x3FB2] =	sst s5  }
0xe: {  	[smem:$0x3FB3] =	sst s6  }
0xf: {  	[smem:$0x3FB4] =	sst s7  }
0x10: {  	[smem:$0x3FB5] =	sst s8  }
0x11: {  	[smem:$0x3FB6] =	sst s9;
	s0 =	simm.s32 @!p0 $0x0  }
0x12: {  	s1 =	sld [smem:$0x3F9C];
	s0 =	simm.s32 @p0 $0x1  }
0x13: {  	[smem:$0x3FB7] =	sst s0;
	s0 =	simm.s32 @!p1 $0x0  }
0x14: {  	s2 =	sld [smem:$0x3F9B];
	s0 =	simm.s32 @p1 $0x1  }
0x15: {  	[smem:$0x3FB8] =	sst s0;
	s0 =	simm.s32 @!p2 $0x0  }
0x16: {  	s3 =	sld [smem:$0x3FDB];
	s0 =	simm.s32 @p2 $0x1  }
0x17: {  	s4 =	simm.s32 $0x1BF5;
	[smem:$0x3FBA] =	sst s0  }
0x18: {  	s0 =	sld [smem:$0x3F9D];
	_ =	swait.ge [sflag:s4], $0x0  }
0x19: {  	s7 =	sld [smem:$0x3F9E]  }
0x1a: {  	s8 =	sadd.s32 $0xFFFFE003, lr  }
0x1b: {  	s9 =	sadd.s32 $0xFFFFFEF7, lr;
	s5 =	simm.s32 $0xFFFFFFFF;
	p2 =	slt.u32 s8, $0xFFFFF086  }
0x1c: {  	p1 =	slt.u32 s9, $0xF7A;
	s5 =	simm.s32 @!p2 $0x0  }
0x1d: {  	s5 =	simm.s32 @p1 $0x1;
	p0 =	seq.s32 s7, s2  }
0x1e: {  	s7 =	smul.u32 @!p0 $0xF7A, s2;
	p2 =	seq.s32 @!p0 s5, $0x0  }
0x1f: {  	s9 =	smul.u32 $0xF7A, s1;
	s8 =	simm.s32 @!p0 $0x1BF5;
	p2 =	por !p2, p0  }
0x20: {  	[sflag:s8] =	ssyncset.s32 @!p0 $0xFFFFF086;
	s6 =	sadd.s32 @!p0 s3, s7;
	s7 =	simm.s32 @!p0 $0x108  }
0x21: {  	s3 =	sadd.s32 s3, s9;
	s6 =	sadd.s32 @!p0 $0x88, s6;
	s7 =	simm.s32 @p2 $0x1082  }
0x22: {  	[simem:s7], [sflag:s8] =	dma.local @!p0 [hbm:s6], $0xF7A  }
0x23: {  	s9 =	sor.u32 $0xD0000000, s2;
	s6 =	simm.s32 $0x108;
	_ =	swait.ge @!p0 [sflag:s8], $0x0  }
0x24: {  	s3 =	sadd.s32 $0x88, s3;
	s6 =	simm.s32 @!p1 $0x1082;
	[sflag:s4] =	ssyncset.s32 $0xFFFFF086  }
0x25: {  	[simem:s6], [sflag:s4] =	dma.local [hbm:s3], $0xF7A  }
0x26: {  	[smem:$0x3F9E] =	sst s1;
	(tag) =	ssettag s2;
	_ =	strace s9  }
0x27: {  	s1 =	sld [smem:$0x3FAE]  }
0x28: {  	s2 =	sld [smem:$0x3FAF]  }
0x29: {  	s4 =	sld [smem:$0x3FB1]  }
0x2a: {  	p0 =	seq.s32 s5, $0x0;
	s5 =	sld [smem:$0x3FB2]  }
0x2b: {  	s6 =	sld [smem:$0x3FB3]  }
0x2c: {  	s7 =	sld [smem:$0x3FB4]  }
0x2d: {  	s3 =	simm.s32 $0x108;
	s8 =	sld [smem:$0x3FB5]  }
0x2e: {  	s3 =	simm.s32 @!p0 $0x1082;
	s9 =	sld [smem:$0x3FB6]  }
0x2f: {  	lr =	sadd.s32 s0, s3;
	s0 =	sld [smem:$0x3FAD]  }
0x30: {  	s3 =	sld [smem:$0x3FB0]  }
0x31: {  	[smem:$0x3FB9] =	sst s10  }
0x32: {  	s10 =	sld [smem:$0x3FB7];
	_ =	sdelay $0x3  }
0x33: {  	p0 =	seq.s32 s10, $0x1;
	s10 =	sld [smem:$0x3FB9];
	_ =	sdelay $0x3  }
0x34: {  	[smem:$0x3FB9] =	sst s10  }
0x35: {  	s10 =	sld [smem:$0x3FB8];
	_ =	sdelay $0x3  }
0x36: {  	p1 =	seq.s32 s10, $0x1;
	s10 =	sld [smem:$0x3FB9];
	_ =	sdelay $0x3  }
0x37: {  	[smem:$0x3FB9] =	sst s10  }
0x38: {  	s10 =	sld [smem:$0x3FBA]  }
0x39: {  	_ = 	snop;
	(pc) =	sbr.ind lr, $3  }
0x3a: {  	_ = 	snop  }
0x3b: {  	_ = 	snop  }
0x3c: {  	p2 =	seq.s32 s10, $0x1;
	s10 =	sld [smem:$0x3FB9]  }
0x3d: {  	_ =	shalt  }
0x3e: {  	_ =	shalt  }
0x3f: {  	_ =	shalt  }
0x40: {  	_ =	shalt  }
0x41: {  	_ =	shalt  }
0x42: {  	_ =	shalt  }
0x43: {  	_ =	shalt  }
0x44: {  	_ =	shalt  }
0x45: {  	_ =	shalt  }
0x46: {  	_ =	shalt  }
0x47: {  	_ =	shalt  }
0x48: {  	_ =	shalt  }
0x49: {  	_ =	shalt  }
0x4a: {  	_ =	shalt  }
0x4b: {  	_ =	shalt  }
0x4c: {  	_ =	shalt  }
0x4d: {  	_ =	shalt  }
0x4e: {  	_ =	shalt  }
0x4f: {  	_ =	shalt  }
0x50: {  	_ =	shalt  }
0x51: {  	_ =	shalt  }
0x52: {  	_ =	shalt  }
0x53: {  	_ =	shalt  }
0x54: {  	_ =	shalt  }
0x55: {  	_ =	shalt  }
0x56: {  	_ =	shalt  }
0x57: {  	_ =	shalt  }
0x58: {  	_ =	shalt  }
0x59: {  	_ =	shalt  }
0x5a: {  	_ =	shalt  }
0x5b: {  	_ =	shalt  }
0x5c: {  	_ =	shalt  }
0x5d: {  	_ =	shalt  }
0x5e: {  	_ =	shalt  }
0x5f: {  	_ =	shalt  }
0x60: {  	_ =	shalt  }
0x61: {  	_ =	shalt  }
0x62: {  	_ =	shalt  }
0x63: {  	_ =	shalt  }
0x64: {  	_ =	shalt  }
0x65: {  	_ =	shalt  }
0x66: {  	_ =	shalt  }
0x67: {  	_ =	shalt  }
0x68: {  	_ =	shalt  }
0x69: {  	_ =	shalt  }
0x6a: {  	_ =	shalt  }
0x6b: {  	_ =	shalt  }
0x6c: {  	_ =	shalt  }
0x6d: {  	_ =	shalt  }
0x6e: {  	_ =	shalt  }
0x6f: {  	_ =	shalt  }
0x70: {  	_ =	shalt  }
0x71: {  	_ =	shalt  }
0x72: {  	_ =	shalt  }
0x73: {  	_ =	shalt  }
0x74: {  	_ =	shalt  }
0x75: {  	_ =	shalt  }
0x76: {  	_ =	shalt  }
0x77: {  	_ =	shalt  }
0x78: {  	_ =	shalt  }
0x79: {  	_ =	shalt  }
0x7a: {  	_ =	shalt  }
0x7b: {  	_ =	shalt  }
0x7c: {  	_ =	shalt  }
0x7d: {  	_ =	shalt  }
0x7e: {  	_ =	shalt  }
0x7f: {  	_ =	shalt  }
0x80: {  	_ =	shalt  }
0x81: {  	_ =	shalt  }
0x82: {  	_ =	shalt  }
0x83: {  	_ =	shalt  }
0x84: {  	_ =	shalt  }
0x85: {  	_ =	shalt  }
0x86: {  	_ =	shalt  }
0x87: {  	_ =	shalt  }
.Lfunc_end0:
.L_simem_size_0:
called_computation_lowered:
.L_overlay_start_0:
0x88: {  	s2 =	sld [smem:$0x3FD9]  }
0x89: {  	s3 =	sld [smem:$0x3FFE];
	_ =	sdelay $0x1  }
0x8a: {  	s1 =	srdreg.scid  }
0x8b: {  	s0 =	sand.u32 $0x1, s1  }
0x8c: {  	s17 =	sshll.u32 s0, $0xA;
	s2 =	sadd.s32 s3, s2  }
0x8d: {  	s2 =	sadd.s32 s2, s17  }
0x8e: {  	[smem:$0x3FC5] =	sst s2  }
0x8f: {  	_ = 	snop  }
0x90: {  	s2 =	sld [smem:$0x3FC8]  }
0x91: {  	s18 =	sld [smem:$0x3FC7]  }
0x92: {  	s4 =	sld [smem:$0x3FD0];
	(tm) =	ssettm $0x1  }
0x93: {  	s5 =	sld [smem:$0x3FFB];
	_ =	sdelay $0x3  }
0x94: {  	_ =	strace s5  }
0x95: {  	s5 =	sld [smem:$0x3FFC];
	_ =	sdelay $0x3  }
0x96: {  	_ =	strace s5  }
0x97: {  	s5 =	sld [smem:$0x3FFD];
	_ =	sdelay $0x3  }
0x98: {  	_ =	strace s5  }
0x99: {  	_ =	strace $0x8FFFFFFF  }
0x9a: {  	s19 =	sld [smem:$0x3FDB];
	_ =	sdelay $0x1  }
0x9b: {  	s6 =	simm.s32 $_scs_section_size  }
0x9c: {  	s7 =	simm.s32 $_size__tile_overlayer_lowered;
	s8 =	simm.s32 $_tile_overlayer_lowered  }
0x9d: {  	s22 =	simm.s32 $0x1BFF;
	s21 =	sshll.u32 s8, $0x1;
	s5 =	sadd.s32 s6, s19  }
0x9e: {  	s9 =	simm.s32 $0x0;
	s20 =	sshll.u32 s7, $0x1;
	s7 =	sadd.s32 s21, s5  }
0x9f: {  	[timem:s9], [sflag:s22] =	dma.local [hbm:s7], s20  }
0xa0: {  	_ =	swait.ge [sflag:s22], s20  }
0xa1: {  	s6 =	ssub.s32 $0x0, s20;
	[sflag:s22] =	ssyncset.done $0x0  }
0xa2: {  	[sflag:s22] =	ssyncadd.s32 s6;
	_ =	sdelay $0x1  }
0xa3: {  	s23 =	simm.s32 $0x1B8B  }
0xa4: {  	_ =	swait.ge [sflag:s23], $0x1  }
0xa5: {  	[sflag:s23] =	ssyncset.done $0x0  }
0xa6: {  	s25 =	simm.s32 $0x1B8E;
	s24 =	sld [smem:$0x3FFE];
	[sflag:s23] =	ssyncadd.s32 $0xFFFFFFFF  }
0xa7: {  	s26 =	simm.s32 $execute0_lowered;
	[smem:$0x3FD2] =	sst s25  }
0xa8: {  	s7 =	sshll.u32 s26, $0x1;
	_ =	strace $0x80000046;
	[dreg:$0x1] =	wrdreg $0xFFFFFFFF  }
0xa9: {  	s28 =	simm.s32 $_size_execute0_lowered;
	s5 =	sadd.s32 s5, s7;
	[dreg:$0x0] =	wrdreg $0x0  }
0xaa: {  	s7 =	sshll.u32 s28, $0x1;
	[dreg:$0x2] =	wrdreg s5  }
0xab: {  	[dreg:$0x3] =	wrdreg s7  }
0xac: {  	[dreg:$0x4] =	wrdreg $0xC0  }
0xad: {  	_ =	task [dreg:s9], $0x5FFFF  }
0xae: {  	[dreg:$0x1] =	wrdreg $0xFFFFFFFF  }
0xaf: {  	[dreg:$0x0] =	wrdreg $0x60  }
0xb0: {  	[dreg:$0x2] =	wrdreg s24  }
0xb1: {  	[dreg:$0x3] =	wrdreg s2  }
0xb2: {  	[dreg:$0x4] =	wrdreg s18  }
0xb3: {  	[dreg:$0x5] =	wrdreg s4  }
0xb4: {  	[dreg:$0x6] =	wrdreg $0x9  }
0xb5: {  	_ =	task.clear_ibuf [dreg:s9], $0x7FFFF;
	_ =	strace $0x90000046  }
0xb6: {  	s29 =	simm.s32 $0x9;
	_ =	strace $0x80000048  }
0xb7: {  	_ =	swait.ge [sflag:s29], $0x1  }
0xb8: {  	[sflag:s29] =	ssyncadd.s32 $0xFFFFFFFF  }
0xb9: {  	_ =	strace $0x90000048  }
0xba: {  	_ =	sfence  }
0xbb: {  	s30 =	sld [smem:$0x0];
	_ =	sdelay $0x2  }
0xbc: {  	s31 =	sshll.u32 s1, $0xD;
	s1 =	sshrl.u32 s1, $0x2  }
0xbd: {  	s3 =	sand.u32 $0x4000, s31;
	s1 =	sadd.s32 s1, s30  }
0xbe: {  	s0 =	sor.u32 s3, s0;
	s1 =	sshll.u32 s1, $0x11  }
0xbf: {  	s0 =	sor.u32 s1, s0  }
0xc0: {  	s0 =	sadd.s32 $0x8F2B, s0  }
0xc1: {  	[sflag:s0] =	ssyncadd.remote.s32 $0x1  }
0xc2: {  	_ =	sfence.sel $0xFFFF  }
0xc3: {  	[dreg:$0x0] =	wrdreg $0xFFFFFFFF;
	(pc) =	sbr.abs _section_cstart, $3  }
0xc4: {  	[dreg:$0x1] =	wrdreg $0xFFFFFFFF  }
0xc5: {  	_ =	task.clear_ibuf [dreg:s9], $0x2FFFF;
	_ =	strace $0x9FFFFFFF  }
0xc6: {  	(tm) =	ssettm $0x7FFFFFFF  }
0xc7: {  	_ =	shalt  }
tec
execute0_lowered:
.L_overlay_start_1:
0x0: {  	(tag) =	ssettag $0x1  }
0x1: {  	s6 =	rddreg [dreg:$0x0]  }
0x2: {  	s1 =	rddreg [dreg:$0x1]  }
0x3: {  	s2 =	srdreg.scid;
	s3 =	rddreg [dreg:$0x2]  }
0x4: {  	s0 =	stileid.u32;
	s4 =	rddreg [dreg:$0x3];
	s5 =	simm.s32 $0x0  }
0x5: {  	s12 =	simm.s32 $0x1900;
	s13 =	simm.s32 $0x7;
	s14 =	simm.s32 $0xC8  }
0x6: {  	s15 =	simm.s32 $0x7D00;
	s16 =	simm.s32 $0xE100;
	s17 =	simm.s32 $0x1  }
0x7: {  	s18 =	simm.s32 $0x14500;
	s19 =	simm.s32 $0x2;
	s20 =	simm.s32 $0x4  }
0x8: {  	s21 =	simm.s32 $0x3;
	s7 =	sand.u32 $0x1, s2;
	s30 =	sshll.u32 s0, $0x1  }
0x9: {  	s22 =	simm.s32 $0x5;
	s23 =	simm.s32 $0x6;
	s8 =	sor.u32 s7, s30  }
0xa: {  	s24 =	simm.s32 $0x0;
	s7 =	ssub.s32 $0x2, s7;
	s9 =	smul.u32 $0x320, s8  }
0xb: {  	[smem:$0x7FF] =	sst s5;
	s10 =	smul.u32 $0xC8000, s8;
	s31 =	sshrl.u32 s7, $0x1  }
0xc: {  	s2 =	rddreg [dreg:$0x4];
	_ =	strace $0x80000047;
	s11 =	ssub.s32 s7, s31  }
0xd: {  	s9 =	sadd.s32 s9, s6;
	s10 =	sshrl.u32 s10, $0x3;
	s6 =	sshll.u32 s8, $0x5  }
0xe: {  	s11 =	smax.u32 s11, $0x1;
	s10 =	sadd.s32 s4, s10;
	s7 =	sadd.s32 $0x400, s9  }
0xf: {  	s8 =	sor.u32 $0x1, s6;
	s9 =	sadd.s32 $0x17700, s10;
	s10 =	sadd.s32 $0x18380, s10  }
.LBB2_1:
0x10: {  	[tilespmem:s12], [sflag:$0x7] =	stream.linear.gather [hbm4b:s3+s5], $0x6400, $0x38;
	[tilespmem:$0x1A900] =	vst v63  }
0x11: {  	_ =	swait.ge [sflag:s13], $0x6400  }
0x12: {  	[sflag:s13] =	ssyncset.done $0x0  }
0x13: {  	[sflag:s13] =	ssyncadd.s32 $0xFFFF9C00  }
0x14: {  	[tilespmem:s5], [sflag:$0x7] =	stream.linear.gather [hbm4b:s7+s5], $0x1900, $0x38;
	[tilespmem:$0x1A900] =	vst v63  }
0x15: {  	_ =	swait.ge [sflag:s13], $0x1900  }
0x16: {  	[sflag:s13] =	ssyncset.done $0x0  }
0x17: {  	[sflag:s13] =	ssyncadd.s32 $0xFFFFE700  }
0x18: {  	[tilespmem:s15], [sflag:$0x1] =	stream.indirect.gather [hbm4b:s1+s14], $0x80, s5, s14, $0xb8;
	[tilespmem:$0x1A900] =	vst v63  }
0x19: {  	s25 =	simm.s32 $0x0  }
0x1a: {  	[tilespmem:s16], [sflag:$0x2] =	stream.indirect.gather [hbm4b:s1+s14], $0x80, s14, s14, $0xb8;
	[tilespmem:$0x1A900] =	vst v63  }
.LBB2_2:
0x1b: {  	_ =	swait.ge [sflag:s17], $0x6400  }
0x1c: {  	[sflag:s17] =	ssyncset.done $0x0  }
0x1d: {  	s26 =	simm.s32 $0x0;
	s28 =	simm.s32 $0x200;
	[sflag:s17] =	ssyncadd.s32 $0xFFFF9C00  }
.LBB2_3:
0x1e: {  	p0 =	sne.s32 s28, $0x18E00;
	v0 =	vld [tilespmem:s26+$0x1970]  }
0x1f: {  	v1 =	vld [tilespmem:s26+$0x1900]  }
0x20: {  	v2 =	vld [tilespmem:s26+$0x1910]  }
0x21: {  	v3 =	vld [tilespmem:s26+$0x1920]  }
0x22: {  	v4 =	vld [tilespmem:s26+$0x1930]  }
0x23: {  	[tilespmem:s26+$0x7D70] =	vst.add.f32.msk $0xffff, v0  }
0x24: {  	v0 =	vld [tilespmem:s26+$0x1940]  }
0x25: {  	v5 =	vld [tilespmem:s26+$0x1950]  }
0x26: {  	v6 =	vld [tilespmem:s26+$0x1960]  }
0x27: {  	[tilespmem:s26+$0x7D00] =	vst.add.f32.msk $0xffff, v1  }
0x28: {  	[tilespmem:s26+$0x7D10] =	vst.add.f32.msk $0xffff, v2  }
.Ltmp0:
0x29: {  	[tilespmem:s26+$0x7D20] =	vst.add.f32.msk $0xffff, v3;
	(pc) =	sbr.rel @p0 .LBB2_3-.Ltmp0, $4  }
0x2a: {  	[tilespmem:s26+$0x7D30] =	vst.add.f32.msk $0xffff, v4  }
0x2b: {  	[tilespmem:s26+$0x7D40] =	vst.add.f32.msk $0xffff, v0  }
0x2c: {  	[tilespmem:s26+$0x7D50] =	vst.add.f32.msk $0xffff, v5  }
0x2d: {  	[tilespmem:s26+$0x7D60] =	vst.add.f32.msk $0xffff, v6;
	s26 =	sshra.s32 s28, $0x2;
	s28 =	sadd.s32 $0x200, s28  }
0x2e: {  	v0 =	vld [tilespmem:s26+$0x1970]  }
0x2f: {  	v1 =	vld [tilespmem:s26+$0x1900]  }
0x30: {  	v2 =	vld [tilespmem:s26+$0x1910]  }
0x31: {  	v3 =	vld [tilespmem:s26+$0x1920]  }
0x32: {  	v4 =	vld [tilespmem:s26+$0x1930]  }
0x33: {  	v63 =	vld [tilespmem:s26+$0x1940]  }
0x34: {  	v5 =	vld [tilespmem:s26+$0x1950]  }
0x35: {  	v6 =	vld [tilespmem:s26+$0x1960]  }
0x36: {  	[tilespmem:s26+$0x7D70] =	vst.add.f32.msk $0xffff, v0  }
0x37: {  	[tilespmem:s26+$0x7D00] =	vst.add.f32.msk $0xffff, v1  }
0x38: {  	s28 =	smul.u32 $0x3, s25;
	[tilespmem:s26+$0x7D10] =	vst.add.f32.msk $0xffff, v2  }
0x39: {  	[tilespmem:s26+$0x7D20] =	vst.add.f32.msk $0xffff, v3  }
0x3a: {  	s29 =	sadd.s32 s6, s28;
	[tilespmem:s26+$0x7D30] =	vst.add.f32.msk $0xffff, v4  }
0x3b: {  	s29 =	smul.u32 $0xC80, s29;
	[tilespmem:s26+$0x7D40] =	vst.add.f32.msk $0xffff, v63  }
0x3c: {  	p0 =	seq.s32 s25, $0x0;
	[tilespmem:s26+$0x7D50] =	vst.add.f32.msk $0xffff, v5  }
0x3d: {  	[tilespmem:s26+$0x7D60] =	vst.add.f32.msk $0xffff, v6;
	s31 =	sadd.s32 s4, s29;
	s26 =	sadd.s32 $0x2, s28;
	s29 =	simm.s32 @!p0 $0x6  }
0x3e: {  	[hbm4b:s31+s5] =	stream.linear.scatter [tilespmem:s15], [sflag:$0x4], $0x6400, $0x38;
	[tilespmem:$0x1A900] =	vst v63  }
0x3f: {  	s30 =	smul.u32 $0x320, s26;
	_ =	swait.ge @!p0 [sflag:s29], $0x6400  }
0x40: {  	[sflag:s29] =	ssyncset.done @!p0 $0x0  }
0x41: {  	[sflag:s29] =	ssyncadd.s32 @!p0 $0xFFFF9C00;
	s29 =	sshra.s32 s30, $0x2  }
0x42: {  	[tilespmem:s18], [sflag:$0x3] =	stream.indirect.gather [hbm4b:s1+s14], $0x80, s29, s14, $0xb8;
	[tilespmem:$0x1A900] =	vst v63  }
0x43: {  	_ =	swait.ge [sflag:s19], $0x6400  }
0x44: {  	[sflag:s19] =	ssyncset.done $0x0  }
0x45: {  	s30 =	simm.s32 $0x200;
	s29 =	simm.s32 $0x0;
	[sflag:s19] =	ssyncadd.s32 $0xFFFF9C00  }
.LBB2_5:
0x46: {  	p0 =	sne.s32 s30, $0x18E00;
	v0 =	vld [tilespmem:s29+$0x1970]  }
0x47: {  	v1 =	vld [tilespmem:s29+$0x1900]  }
0x48: {  	v2 =	vld [tilespmem:s29+$0x1910]  }
0x49: {  	v3 =	vld [tilespmem:s29+$0x1920]  }
0x4a: {  	v4 =	vld [tilespmem:s29+$0x1930]  }
0x4b: {  	[tilespmem:s29+$0xE170] =	vst.add.f32.msk $0xffff, v0  }
0x4c: {  	v0 =	vld [tilespmem:s29+$0x1940]  }
0x4d: {  	v5 =	vld [tilespmem:s29+$0x1950]  }
0x4e: {  	v6 =	vld [tilespmem:s29+$0x1960]  }
0x4f: {  	[tilespmem:s29+$0xE100] =	vst.add.f32.msk $0xffff, v1  }
0x50: {  	[tilespmem:s29+$0xE110] =	vst.add.f32.msk $0xffff, v2  }
.Ltmp1:
0x51: {  	[tilespmem:s29+$0xE120] =	vst.add.f32.msk $0xffff, v3;
	(pc) =	sbr.rel @p0 .LBB2_5-.Ltmp1, $4  }
0x52: {  	[tilespmem:s29+$0xE130] =	vst.add.f32.msk $0xffff, v4  }
0x53: {  	[tilespmem:s29+$0xE140] =	vst.add.f32.msk $0xffff, v0  }
0x54: {  	[tilespmem:s29+$0xE150] =	vst.add.f32.msk $0xffff, v5  }
0x55: {  	[tilespmem:s29+$0xE160] =	vst.add.f32.msk $0xffff, v6;
	s29 =	sshra.s32 s30, $0x2;
	s30 =	sadd.s32 $0x200, s30  }
0x56: {  	v0 =	vld [tilespmem:s29+$0x1970]  }
0x57: {  	v1 =	vld [tilespmem:s29+$0x1900]  }
0x58: {  	v2 =	vld [tilespmem:s29+$0x1910]  }
0x59: {  	v3 =	vld [tilespmem:s29+$0x1920]  }
0x5a: {  	v4 =	vld [tilespmem:s29+$0x1930]  }
0x5b: {  	v63 =	vld [tilespmem:s29+$0x1940]  }
0x5c: {  	v5 =	vld [tilespmem:s29+$0x1950]  }
0x5d: {  	v6 =	vld [tilespmem:s29+$0x1960]  }
0x5e: {  	[tilespmem:s29+$0xE170] =	vst.add.f32.msk $0xffff, v0  }
0x5f: {  	[tilespmem:s29+$0xE100] =	vst.add.f32.msk $0xffff, v1  }
0x60: {  	[tilespmem:s29+$0xE110] =	vst.add.f32.msk $0xffff, v2  }
0x61: {  	[tilespmem:s29+$0xE120] =	vst.add.f32.msk $0xffff, v3  }
0x62: {  	s28 =	sadd.s32 s28, s8;
	[tilespmem:s29+$0xE130] =	vst.add.f32.msk $0xffff, v4  }
0x63: {  	s28 =	smul.u32 $0xC80, s28;
	[tilespmem:s29+$0xE140] =	vst.add.f32.msk $0xffff, v63  }
0x64: {  	[tilespmem:s29+$0xE150] =	vst.add.f32.msk $0xffff, v5  }
0x65: {  	s28 =	sadd.s32 s4, s28;
	[tilespmem:s29+$0xE160] =	vst.add.f32.msk $0xffff, v6;
	s29 =	simm.s32 $0x0  }
0x66: {  	[hbm4b:s28+s29] =	stream.linear.scatter [tilespmem:s16], [sflag:$0x5], $0x6400, $0x38;
	[tilespmem:$0x1A900] =	vst v63  }
0x67: {  	s28 =	smul.u32 $0x960, s25  }
0x68: {  	_ =	swait.ge [sflag:s20], $0x6400  }
0x69: {  	[sflag:s20] =	ssyncset.done $0x0;
	s28 =	sshra.s32 s28, $0x2  }
0x6a: {  	[sflag:s20] =	ssyncadd.s32 $0xFFFF9C00;
	s29 =	sadd.s32 $0x258, s28  }
0x6b: {  	[tilespmem:s15], [sflag:$0x1] =	stream.indirect.gather [hbm4b:s1+s14], $0x80, s29, s14, $0xb8;
	[tilespmem:$0x1A900] =	vst v63  }
0x6c: {  	_ =	swait.ge [sflag:s21], $0x6400  }
0x6d: {  	[sflag:s21] =	ssyncset.done $0x0  }
0x6e: {  	s30 =	simm.s32 $0x200;
	s29 =	simm.s32 $0x0;
	[sflag:s21] =	ssyncadd.s32 $0xFFFF9C00  }
.LBB2_7:
0x6f: {  	p0 =	sne.s32 s30, $0x18E00;
	v0 =	vld [tilespmem:s29+$0x1970]  }
0x70: {  	v1 =	vld [tilespmem:s29+$0x1900]  }
0x71: {  	v2 =	vld [tilespmem:s29+$0x1910]  }
0x72: {  	v3 =	vld [tilespmem:s29+$0x1920]  }
0x73: {  	v4 =	vld [tilespmem:s29+$0x1930]  }
0x74: {  	[tilespmem:s29+$0x14570] =	vst.add.f32.msk $0xffff, v0  }
0x75: {  	v0 =	vld [tilespmem:s29+$0x1940]  }
0x76: {  	v5 =	vld [tilespmem:s29+$0x1950]  }
0x77: {  	v6 =	vld [tilespmem:s29+$0x1960]  }
0x78: {  	[tilespmem:s29+$0x14500] =	vst.add.f32.msk $0xffff, v1  }
0x79: {  	[tilespmem:s29+$0x14510] =	vst.add.f32.msk $0xffff, v2  }
.Ltmp2:
0x7a: {  	[tilespmem:s29+$0x14520] =	vst.add.f32.msk $0xffff, v3;
	(pc) =	sbr.rel @p0 .LBB2_7-.Ltmp2, $4  }
0x7b: {  	[tilespmem:s29+$0x14530] =	vst.add.f32.msk $0xffff, v4  }
0x7c: {  	[tilespmem:s29+$0x14540] =	vst.add.f32.msk $0xffff, v0  }
0x7d: {  	[tilespmem:s29+$0x14550] =	vst.add.f32.msk $0xffff, v5  }
0x7e: {  	[tilespmem:s29+$0x14560] =	vst.add.f32.msk $0xffff, v6;
	s29 =	sshra.s32 s30, $0x2;
	s30 =	sadd.s32 $0x200, s30  }
0x7f: {  	v0 =	vld [tilespmem:s29+$0x1970]  }
0x80: {  	v1 =	vld [tilespmem:s29+$0x1900]  }
0x81: {  	v2 =	vld [tilespmem:s29+$0x1910]  }
0x82: {  	v3 =	vld [tilespmem:s29+$0x1920]  }
0x83: {  	v4 =	vld [tilespmem:s29+$0x1930]  }
0x84: {  	v63 =	vld [tilespmem:s29+$0x1940]  }
0x85: {  	v5 =	vld [tilespmem:s29+$0x1950]  }
0x86: {  	v6 =	vld [tilespmem:s29+$0x1960]  }
0x87: {  	[tilespmem:s29+$0x14570] =	vst.add.f32.msk $0xffff, v0  }
0x88: {  	[tilespmem:s29+$0x14500] =	vst.add.f32.msk $0xffff, v1  }
0x89: {  	[tilespmem:s29+$0x14510] =	vst.add.f32.msk $0xffff, v2  }
0x8a: {  	[tilespmem:s29+$0x14520] =	vst.add.f32.msk $0xffff, v3  }
0x8b: {  	s26 =	sadd.s32 s6, s26;
	[tilespmem:s29+$0x14530] =	vst.add.f32.msk $0xffff, v4  }
0x8c: {  	s26 =	smul.u32 $0xC80, s26;
	[tilespmem:s29+$0x14540] =	vst.add.f32.msk $0xffff, v63  }
0x8d: {  	s25 =	sadd.s32 $0x1, s25;
	[tilespmem:s29+$0x14550] =	vst.add.f32.msk $0xffff, v5  }
0x8e: {  	p0 =	sne.s32 s25, $0xA;
	s26 =	sadd.s32 s4, s26;
	[tilespmem:s29+$0x14560] =	vst.add.f32.msk $0xffff, v6  }
0x8f: {  	[hbm4b:s26+s5] =	stream.linear.scatter [tilespmem:s18], [sflag:$0x6], $0x6400, $0x38;
	[tilespmem:$0x1A900] =	vst v63  }
.Ltmp3:
0x90: {  	_ = 	snop;
	(pc) =	sbr.rel @p0 .LBB2_2-.Ltmp3, $4  }
0x91: {  	_ =	swait.ge [sflag:s22], $0x6400  }
0x92: {  	[sflag:s22] =	ssyncset.done $0x0  }
0x93: {  	s31 =	sadd.s32 $0x320, s28;
	[sflag:s22] =	ssyncadd.s32 $0xFFFF9C00  }
0x94: {  	[tilespmem:s16], [sflag:$0x2] =	stream.indirect.gather [hbm4b:s1+s14], $0x80, s31, s14, $0xb8;
	[tilespmem:$0x1A900] =	vst v63  }
0x95: {  	_ =	swait.ge [sflag:s17], $0x6400  }
0x96: {  	[sflag:s17] =	ssyncset.done $0x0  }
0x97: {  	s25 =	simm.s32 $0x0;
	s26 =	simm.s32 $0x200;
	[sflag:s17] =	ssyncadd.s32 $0xFFFF9C00  }
.LBB2_10:
0x98: {  	p0 =	sne.s32 s26, $0x18E00;
	v0 =	vld [tilespmem:s25+$0x1970]  }
0x99: {  	v1 =	vld [tilespmem:s25+$0x1900]  }
0x9a: {  	v2 =	vld [tilespmem:s25+$0x1910]  }
0x9b: {  	v3 =	vld [tilespmem:s25+$0x1920]  }
0x9c: {  	v4 =	vld [tilespmem:s25+$0x1930]  }
0x9d: {  	[tilespmem:s25+$0x7D70] =	vst.add.f32.msk $0xffff, v0  }
0x9e: {  	v0 =	vld [tilespmem:s25+$0x1940]  }
0x9f: {  	v5 =	vld [tilespmem:s25+$0x1950]  }
0xa0: {  	v6 =	vld [tilespmem:s25+$0x1960]  }
0xa1: {  	[tilespmem:s25+$0x7D00] =	vst.add.f32.msk $0xffff, v1  }
0xa2: {  	[tilespmem:s25+$0x7D10] =	vst.add.f32.msk $0xffff, v2  }
.Ltmp4:
0xa3: {  	[tilespmem:s25+$0x7D20] =	vst.add.f32.msk $0xffff, v3;
	(pc) =	sbr.rel @p0 .LBB2_10-.Ltmp4, $4  }
0xa4: {  	[tilespmem:s25+$0x7D30] =	vst.add.f32.msk $0xffff, v4  }
0xa5: {  	[tilespmem:s25+$0x7D40] =	vst.add.f32.msk $0xffff, v0  }
0xa6: {  	[tilespmem:s25+$0x7D50] =	vst.add.f32.msk $0xffff, v5  }
0xa7: {  	[tilespmem:s25+$0x7D60] =	vst.add.f32.msk $0xffff, v6;
	s25 =	sshra.s32 s26, $0x2;
	s26 =	sadd.s32 $0x200, s26  }
0xa8: {  	v0 =	vld [tilespmem:s25+$0x1970]  }
0xa9: {  	v1 =	vld [tilespmem:s25+$0x1900]  }
0xaa: {  	v2 =	vld [tilespmem:s25+$0x1910]  }
0xab: {  	v3 =	vld [tilespmem:s25+$0x1920]  }
0xac: {  	v4 =	vld [tilespmem:s25+$0x1930]  }
0xad: {  	v63 =	vld [tilespmem:s25+$0x1940]  }
0xae: {  	v5 =	vld [tilespmem:s25+$0x1950]  }
0xaf: {  	v6 =	vld [tilespmem:s25+$0x1960]  }
0xb0: {  	[tilespmem:s25+$0x7D70] =	vst.add.f32.msk $0xffff, v0  }
0xb1: {  	[tilespmem:s25+$0x7D00] =	vst.add.f32.msk $0xffff, v1  }
0xb2: {  	[tilespmem:s25+$0x7D10] =	vst.add.f32.msk $0xffff, v2  }
0xb3: {  	[tilespmem:s25+$0x7D20] =	vst.add.f32.msk $0xffff, v3  }
0xb4: {  	[tilespmem:s25+$0x7D30] =	vst.add.f32.msk $0xffff, v4  }
0xb5: {  	[tilespmem:s25+$0x7D40] =	vst.add.f32.msk $0xffff, v63  }
0xb6: {  	[tilespmem:s25+$0x7D50] =	vst.add.f32.msk $0xffff, v5  }
0xb7: {  	s31 =	simm.s32 $0x0;
	[tilespmem:s25+$0x7D60] =	vst.add.f32.msk $0xffff, v6  }
0xb8: {  	[hbm4b:s9+s31] =	stream.linear.scatter [tilespmem:s15], [sflag:$0x4], $0x6400, $0x38;
	[tilespmem:$0x1A900] =	vst v63  }
0xb9: {  	_ =	swait.ge [sflag:s19], $0x6400  }
0xba: {  	[sflag:s19] =	ssyncset.done $0x0  }
0xbb: {  	s26 =	simm.s32 $0x200;
	s25 =	simm.s32 $0x0;
	[sflag:s19] =	ssyncadd.s32 $0xFFFF9C00  }
.LBB2_12:
0xbc: {  	p0 =	sne.s32 s26, $0x18E00;
	v0 =	vld [tilespmem:s25+$0x1970]  }
0xbd: {  	v1 =	vld [tilespmem:s25+$0x1900]  }
0xbe: {  	v2 =	vld [tilespmem:s25+$0x1910]  }
0xbf: {  	v3 =	vld [tilespmem:s25+$0x1920]  }
0xc0: {  	v4 =	vld [tilespmem:s25+$0x1930]  }
0xc1: {  	[tilespmem:s25+$0xE170] =	vst.add.f32.msk $0xffff, v0  }
0xc2: {  	v0 =	vld [tilespmem:s25+$0x1940]  }
0xc3: {  	v5 =	vld [tilespmem:s25+$0x1950]  }
0xc4: {  	v6 =	vld [tilespmem:s25+$0x1960]  }
0xc5: {  	[tilespmem:s25+$0xE100] =	vst.add.f32.msk $0xffff, v1  }
0xc6: {  	[tilespmem:s25+$0xE110] =	vst.add.f32.msk $0xffff, v2  }
.Ltmp5:
0xc7: {  	[tilespmem:s25+$0xE120] =	vst.add.f32.msk $0xffff, v3;
	(pc) =	sbr.rel @p0 .LBB2_12-.Ltmp5, $4  }
0xc8: {  	[tilespmem:s25+$0xE130] =	vst.add.f32.msk $0xffff, v4  }
0xc9: {  	[tilespmem:s25+$0xE140] =	vst.add.f32.msk $0xffff, v0  }
0xca: {  	[tilespmem:s25+$0xE150] =	vst.add.f32.msk $0xffff, v5  }
0xcb: {  	[tilespmem:s25+$0xE160] =	vst.add.f32.msk $0xffff, v6;
	s25 =	sshra.s32 s26, $0x2;
	s26 =	sadd.s32 $0x200, s26  }
0xcc: {  	v0 =	vld [tilespmem:s25+$0x1970]  }
0xcd: {  	v1 =	vld [tilespmem:s25+$0x1900]  }
0xce: {  	v2 =	vld [tilespmem:s25+$0x1910]  }
0xcf: {  	v3 =	vld [tilespmem:s25+$0x1920]  }
0xd0: {  	v4 =	vld [tilespmem:s25+$0x1930]  }
0xd1: {  	v63 =	vld [tilespmem:s25+$0x1940]  }
0xd2: {  	v5 =	vld [tilespmem:s25+$0x1950]  }
0xd3: {  	v6 =	vld [tilespmem:s25+$0x1960]  }
0xd4: {  	[tilespmem:s25+$0xE170] =	vst.add.f32.msk $0xffff, v0  }
0xd5: {  	[tilespmem:s25+$0xE100] =	vst.add.f32.msk $0xffff, v1  }
0xd6: {  	[tilespmem:s25+$0xE110] =	vst.add.f32.msk $0xffff, v2  }
0xd7: {  	[tilespmem:s25+$0xE120] =	vst.add.f32.msk $0xffff, v3  }
0xd8: {  	[tilespmem:s25+$0xE130] =	vst.add.f32.msk $0xffff, v4  }
0xd9: {  	[tilespmem:s25+$0xE140] =	vst.add.f32.msk $0xffff, v63  }
0xda: {  	[tilespmem:s25+$0xE150] =	vst.add.f32.msk $0xffff, v5  }
0xdb: {  	[tilespmem:s25+$0xE160] =	vst.add.f32.msk $0xffff, v6  }
0xdc: {  	[hbm4b:s10+s5] =	stream.linear.scatter [tilespmem:s16], [sflag:$0x5], $0x6400, $0x38;
	[tilespmem:$0x1A900] =	vst v63  }
0xdd: {  	_ =	swait.ge [sflag:s20], $0x6400  }
0xde: {  	[sflag:s20] =	ssyncset.done $0x0  }
0xdf: {  	s24 =	sadd.s32 $0x1, s24;
	[sflag:s20] =	ssyncadd.s32 $0xFFFF9C00  }
0xe0: {  	p0 =	sne.s32 s24, s11;
	_ =	swait.ge [sflag:s22], $0x6400  }
.Ltmp6:
0xe1: {  	[sflag:s22] =	ssyncset.done $0x0;
	(pc) =	sbr.rel @p0 .LBB2_1-.Ltmp6, $4  }
0xe2: {  	[sflag:s22] =	ssyncadd.s32 $0xFFFF9C00  }
0xe3: {  	_ =	swait.ge [sflag:s23], $0x6400  }
0xe4: {  	[sflag:s23] =	ssyncset.done $0x0  }
0xe5: {  	[sflag:s23] =	ssyncadd.s32 $0xFFFF9C00  }
0xe6: {  	_ =	sfence.sel $0x180000  }
0xe7: {  	[bflag:$0x0] =	sbarrier.arrive $0xFFFF  }
0xe8: {  	p0 =	sne.s32 s0, $0x0;
	_ =	strace $0x90000047  }
0xe9: {  	s0 =	sadd.s32 @!p0 $0x100000, s2;
	[bflag:$0x2] =	sbarrier.arrive $0xFFFF  }
0xea: {  	[sflag:s0] =	ssyncadd.tile.s32 @!p0 $0x1;
	_ =	shalt  }
.Lfunc_end2:
_tile_overlayer_lowered:
.L_overlay_start_2:
0xeb: {  	(tag) =	ssettag $0x2  }
0xec: {  	s0 =	rddreg [dreg:$0x0];
	s2 =	stileid.u32  }
0xed: {  	s1 =	rddreg [dreg:$0x1];
	p0 =	sne.s32 s2, $0x0  }
0xee: {  	s3 =	rddreg [dreg:$0x2];
	[bflag:$0x3] =	sbarrier.arrive $0xFFFF;
	s2 =	simm.s32 @!p0 $0x1C07  }
0xef: {  	[timem:s3], [sflag:s2] =	dma.local @!p0 [hbm:s0], s1  }
0xf0: {  	s0 =	simm.s32 @!p0 $0x7  }
0xf1: {  	_ =	swait.ge @!p0 [sflag:s0], s1  }
0xf2: {  	s1 =	ssub.s32 @!p0 $0x0, s1;
	[sflag:s0] =	ssyncset.done @!p0 $0x0  }
0xf3: {  	[sflag:s0] =	ssyncadd.s32 @!p0 s1  }
0xf4: {  	[bflag:$0x3] =	sbarrier.arrive $0xFFFF  }
0xf5: {  	_ =	shalt  }

</sc_bundles>
